<compile_context>
chip_gen: v7x
topology: tpu7x:2x2x1
jax: 0.10.2.dev20260603
libtpu: 0.0.44.dev20260713+nightly
codegen_flags: <defaults>
</compile_context>

<pallas_src>
import functools

import jax
import jax.numpy as jnp
from jax import lax
from jax.experimental import pallas as pl
from jax.experimental.pallas import tpu as pltpu
from jax.experimental.pallas import tpu_sc as plsc

_B = 512
_C = 512
_L = 16
_T = 128
_NW = 32
_B_SC = 320
_B_PER_W = _B_SC // _NW
_BLK_PER_B = _C // _T
_RB = 2
_NROUND = _B_PER_W * _BLK_PER_B // _RB
_BB_TC = 8


def _diag_sc_body(x_hbm, out_hbm, buf_v, out_v, sem0, sem1):
    cid = lax.axis_index("c")
    sid = lax.axis_index("s")
    wid = sid * 2 + cid
    lanes = lax.iota(jnp.int32, 16)
    sems = [sem0, sem1]

    def block_refs(r, parity, k):
        g = (wid * _NROUND + r) * _RB + k
        row0 = pl.multiple_of(g * _T, _T)
        col0 = pl.multiple_of((g % _BLK_PER_B) * _T, _T)
        return x_hbm.at[pl.ds(row0, _T), pl.ds(col0, _T)], buf_v.at[parity, k]

    def fire(r, parity):
        for k in range(_RB):
            src, dst = block_refs(r, parity, k)
            pltpu.async_copy(src, dst, sems[parity])

    def drain_extract(r, parity, i, j0):
        for k in range(_RB):
            src, dst = block_refs(r, parity, k)
            pltpu.make_async_copy(src, dst, sems[parity]).wait()
        for k in range(_RB):
            for q in range(_T // _L):
                d = q * _L + lanes
                diag = plsc.load_gather(buf_v.at[parity, k], [d, d])
                out_v[pl.ds(i * _C + (j0 + k) * _T + q * _L, _L)] = diag

    def per_super(s, carry):
        fire(2 * s + 1, 1)
        drain_extract(2 * s, 0, s, 0)

        @pl.when(s + 1 < _NROUND // 2)
        def _():
            fire(2 * s + 2, 0)

        drain_extract(2 * s + 1, 1, s, 2)
        return carry

    fire(0, 0)
    lax.fori_loop(0, _NROUND // 2, per_super, 0)
    pltpu.sync_copy(out_v, out_hbm.at[wid])


def _diag_tc_body(x_ref, eye_ref, o_ref):
    blk = x_ref[...]
    masked = blk * eye_ref[...]
    ones = jnp.ones((_T,), jnp.float32)
    o_ref[...] = lax.dot_general(
        masked, ones, (((1,), (0,)), ((), ())),
        preferred_element_type=jnp.float32)


@jax.jit
def _diag(x):
    x2d = x.reshape(_B * _C, _C)
    mesh = plsc.VectorSubcoreMesh(core_axis_name="c", subcore_axis_name="s")
    sc = functools.partial(
        pl.kernel,
        mesh=mesh,
        out_type=jax.ShapeDtypeStruct((_NW, _B_PER_W * _C), jnp.float32),
        scratch_types=[
            pltpu.VMEM((2, _RB, _T, _T), jnp.float32),
            pltpu.VMEM((_B_PER_W * _C,), jnp.float32),
            pltpu.SemaphoreType.DMA,
            pltpu.SemaphoreType.DMA,
        ],
        compiler_params=pltpu.CompilerParams(needs_layout_passes=False),
        cost_estimate=pl.CostEstimate(
            flops=2 * _B_SC * _C,
            transcendentals=0,
            bytes_accessed=_B_SC * _C * 512 * 4,
        ),
    )(_diag_sc_body)
    out_sc = sc(x2d).reshape(_B_SC, _C)

    eye = jnp.eye(_T, dtype=jnp.float32)[None]
    out_tc = pl.pallas_call(
        _diag_tc_body,
        grid=((_B - _B_SC) // _BB_TC, _C // _T),
        in_specs=[
            pl.BlockSpec((_BB_TC, _T, _T),
                         lambda b, u: (b + _B_SC // _BB_TC, u, u)),
            pl.BlockSpec((1, _T, _T), lambda b, u: (0, 0, 0)),
        ],
        out_specs=pl.BlockSpec((_BB_TC, _T), lambda b, u: (b, u)),
        out_shape=jax.ShapeDtypeStruct((_B - _B_SC, _C), jnp.float32),
        compiler_params=pltpu.CompilerParams(
            dimension_semantics=("arbitrary", "arbitrary")),
    )(x, eye)

    return jnp.concatenate([out_sc, out_tc], axis=0)


def kernel(x):
    B, C, C1 = x.shape
    assert (B, C, C1) == (_B, _C, _C)
    return _diag(x)

# --- scband reference (transcript-rebuilt; emitter-appended) ---
"""Pipeline reference for scband-diagonal-80384607912454 (READ-ONLY COPY).

The authoritative reference and input builder live on the scoring server;
editing this copy changes nothing except your own understanding.
"""

import jax, jax.numpy as jnp
import numpy as np


def setup_inputs(seed: int = 0) -> dict:
    key = jax.random.key(seed)
    x = jax.random.normal(key, (512, 512, 512), dtype=jnp.float32)
    return {"x": x}


def reference(x):
    B, C, C1 = x.shape
    assert C == C1
    index0 = jnp.arange(B)
    index0 = jnp.tile(index0[:, None], (1, C))  # torch.t(index0.repeat([C,1]))
    index1 = jnp.arange(C)
    index1 = jnp.tile(index1[None, :], (B, 1))  # index1.repeat([B,1])
    output = x[index0, index1, index1]
    return output

if __name__ == "__main__":
    import jax
    _d = setup_inputs()
    print(jax.jit(kernel)(*tuple(_d.values())))

</pallas_src>

<mosaic_0001>
#map = affine_map<(d0, d1) -> (0, 0)>
module attributes {stable_mosaic.version = 14 : i64} {
  func.func @_diag_sc_body(%arg0: i32, %arg1: i32, %arg2: memref<262144x512xf32, #tpu.memory_space<hbm>>, %arg3: memref<32x5120xf32, #tpu.memory_space<hbm>>, %arg4: memref<2x2x128x128xf32, #tpu.memory_space<vmem>>, %arg5: memref<5120xf32, #tpu.memory_space<vmem>>, %arg6: memref<!tpu.dma_semaphore, #tpu.memory_space<semaphore_mem>>, %arg7: memref<!tpu.dma_semaphore, #tpu.memory_space<semaphore_mem>>) attributes {dimension_semantics = [#tpu.dimension_semantics<core_parallel>, #tpu.dimension_semantics<subcore_parallel>], iteration_bounds = array<i64: 2, 16>, scalar_prefetch = 0 : i64, scratch_operands = 4 : i64, tpu.core_type = #tpu.core_type<sc_vector_subcore>, window_params = [{transform_indices = #map}, {transform_indices = #map}]} {
    %mul3A = arith.constant 2 : i32
    %mul3A_0 = arith.muli %arg1, %mul3A : i32
    %add3A = arith.addi %mul3A_0, %arg0 : i32
    %iota3A = tpu.iota {dimensions = array<i32: 0>} : vector<16xi32>
    %mul3A_1 = arith.constant 20 : i32
    %mul3A_2 = arith.muli %add3A, %mul3A_1 : i32
    %add3A_3 = arith.constant 0 : i32
    %add3A_4 = arith.addi %mul3A_2, %add3A_3 : i32
    %mul3A_5 = arith.constant 2 : i32
    %mul3A_6 = arith.muli %add3A_4, %mul3A_5 : i32
    %add3A_7 = arith.constant 0 : i32
    %add3A_8 = arith.addi %mul3A_6, %add3A_7 : i32
    %mul3A_9 = arith.constant 128 : i32
    %mul3A_10 = arith.muli %add3A_8, %mul3A_9 : i32
    %multiple_of3A = tpu.assume_multiple %mul3A_10, 128 : i32
    %jit3A = arith.constant 4 : i32
    %eq3A = arith.constant 0 : i32
    %eq3A_11 = arith.cmpi eq, %jit3A, %eq3A : i32
    %jit3A_12 = arith.constant 1 : i32
    %select_n3A = arith.select %eq3A_11, %jit3A_12, %jit3A : i32
    %rem3A = arith.remsi %add3A_8, %select_n3A : i32
    %ne3A = arith.constant 0 : i32
    %ne3A_13 = arith.cmpi ne, %rem3A, %ne3A : i32
    %lt3A = arith.constant 0 : i32
    %lt3A_14 = arith.cmpi slt, %rem3A, %lt3A : i32
    %lt3A_15 = arith.constant 0 : i32
    %lt3A_16 = arith.cmpi slt, %select_n3A, %lt3A_15 : i32
    %ne3A_17 = arith.xori %lt3A_14, %lt3A_16 : i1
    %and3A = arith.andi %ne3A_17, %ne3A_13 : i1
    %add3A_18 = arith.addi %rem3A, %select_n3A : i32
    %select_n3A_19 = arith.select %and3A, %add3A_18, %rem3A : i32
    %mul3A_20 = arith.constant 128 : i32
    %mul3A_21 = arith.muli %select_n3A_19, %mul3A_20 : i32
    %multiple_of3A_22 = tpu.assume_multiple %mul3A_21, 128 : i32
    %dma_start3A = arith.constant 0 : i32
    %dma_start3A_23 = arith.constant 0 : i32
    %dma_start3A_24 = arith.constant 0 : i32
    %dma_start3A_25 = arith.constant 0 : i32
    %dma_start3A_26 = tpu.memref_slice %arg4[%dma_start3A, %dma_start3A_23, %dma_start3A_24, %dma_start3A_25] : memref<2x2x128x128xf32, #tpu.memory_space<vmem>> -> memref<1x1x128x128xf32, #tpu.memory_space<vmem>>
    %dma_start3A_27 = tpu.memref_squeeze %dma_start3A_26 : memref<1x1x128x128xf32, #tpu.memory_space<vmem>> -> memref<128x128xf32, #tpu.memory_space<vmem>>
    %dma_start3A_28 = tpu.memref_slice %arg2[%multiple_of3A, %multiple_of3A_22] : memref<262144x512xf32, #tpu.memory_space<hbm>> -> memref<128x128xf32, #tpu.memory_space<hbm>>
    %dma_start3A_29 = arith.constant 0 : i32
    %dma_start3A_30 = arith.constant 0 : i32
    %dma_start3A_31 = tpu.memref_slice %arg4[%dma_start3A, %dma_start3A_23, %dma_start3A_29, %dma_start3A_30] : memref<2x2x128x128xf32, #tpu.memory_space<vmem>> -> memref<1x1x128x128xf32, #tpu.memory_space<vmem>>
    %dma_start3A_32 = tpu.memref_squeeze %dma_start3A_31 : memref<1x1x128x128xf32, #tpu.memory_space<vmem>> -> memref<128x128xf32, #tpu.memory_space<vmem>>
    %dma_start3A_33 = tpu.memref_slice %arg2[%multiple_of3A, %multiple_of3A_22] : memref<262144x512xf32, #tpu.memory_space<hbm>> -> memref<128x128xf32, #tpu.memory_space<hbm>>
    tpu.enqueue_dma source(%dma_start3A_33 : memref<128x128xf32, #tpu.memory_space<hbm>>) target(%dma_start3A_32 : memref<128x128xf32, #tpu.memory_space<vmem>>) target_semaphore(%arg6 : memref<!tpu.dma_semaphore, #tpu.memory_space<semaphore_mem>>)
    %mul3A_34 = arith.constant 20 : i32
    %mul3A_35 = arith.muli %add3A, %mul3A_34 : i32
    %add3A_36 = arith.constant 0 : i32
    %add3A_37 = arith.addi %mul3A_35, %add3A_36 : i32
    %mul3A_38 = arith.constant 2 : i32
    %mul3A_39 = arith.muli %add3A_37, %mul3A_38 : i32
    %add3A_40 = arith.constant 1 : i32
    %add3A_41 = arith.addi %mul3A_39, %add3A_40 : i32
    %mul3A_42 = arith.constant 128 : i32
    %mul3A_43 = arith.muli %add3A_41, %mul3A_42 : i32
    %multiple_of3A_44 = tpu.assume_multiple %mul3A_43, 128 : i32
    %jit3A_45 = arith.constant 4 : i32
    %eq3A_46 = arith.constant 0 : i32
    %eq3A_47 = arith.cmpi eq, %jit3A_45, %eq3A_46 : i32
    %jit3A_48 = arith.constant 1 : i32
    %select_n3A_49 = arith.select %eq3A_47, %jit3A_48, %jit3A_45 : i32
    %rem3A_50 = arith.remsi %add3A_41, %select_n3A_49 : i32
    %ne3A_51 = arith.constant 0 : i32
    %ne3A_52 = arith.cmpi ne, %rem3A_50, %ne3A_51 : i32
    %lt3A_53 = arith.constant 0 : i32
    %lt3A_54 = arith.cmpi slt, %rem3A_50, %lt3A_53 : i32
    %lt3A_55 = arith.constant 0 : i32
    %lt3A_56 = arith.cmpi slt, %select_n3A_49, %lt3A_55 : i32
    %ne3A_57 = arith.xori %lt3A_54, %lt3A_56 : i1
    %and3A_58 = arith.andi %ne3A_57, %ne3A_52 : i1
    %add3A_59 = arith.addi %rem3A_50, %select_n3A_49 : i32
    %select_n3A_60 = arith.select %and3A_58, %add3A_59, %rem3A_50 : i32
    %mul3A_61 = arith.constant 128 : i32
    %mul3A_62 = arith.muli %select_n3A_60, %mul3A_61 : i32
    %multiple_of3A_63 = tpu.assume_multiple %mul3A_62, 128 : i32
    %dma_start3A_64 = arith.constant 0 : i32
    %dma_start3A_65 = arith.constant 1 : i32
    %dma_start3A_66 = arith.constant 0 : i32
    %dma_start3A_67 = arith.constant 0 : i32
    %dma_start3A_68 = tpu.memref_slice %arg4[%dma_start3A_64, %dma_start3A_65, %dma_start3A_66, %dma_start3A_67] : memref<2x2x128x128xf32, #tpu.memory_space<vmem>> -> memref<1x1x128x128xf32, #tpu.memory_space<vmem>>
    %dma_start3A_69 = tpu.memref_squeeze %dma_start3A_68 : memref<1x1x128x128xf32, #tpu.memory_space<vmem>> -> memref<128x128xf32, #tpu.memory_space<vmem>>
    %dma_start3A_70 = tpu.memref_slice %arg2[%multiple_of3A_44, %multiple_of3A_63] : memref<262144x512xf32, #tpu.memory_space<hbm>> -> memref<128x128xf32, #tpu.memory_space<hbm>>
    %dma_start3A_71 = arith.constant 0 : i32
    %dma_start3A_72 = arith.constant 0 : i32
    %dma_start3A_73 = tpu.memref_slice %arg4[%dma_start3A_64, %dma_start3A_65, %dma_start3A_71, %dma_start3A_72] : memref<2x2x128x128xf32, #tpu.memory_space<vmem>> -> memref<1x1x128x128xf32, #tpu.memory_space<vmem>>
    %dma_start3A_74 = tpu.memref_squeeze %dma_start3A_73 : memref<1x1x128x128xf32, #tpu.memory_space<vmem>> -> memref<128x128xf32, #tpu.memory_space<vmem>>
    %dma_start3A_75 = tpu.memref_slice %arg2[%multiple_of3A_44, %multiple_of3A_63] : memref<262144x512xf32, #tpu.memory_space<hbm>> -> memref<128x128xf32, #tpu.memory_space<hbm>>
    tpu.enqueue_dma source(%dma_start3A_75 : memref<128x128xf32, #tpu.memory_space<hbm>>) target(%dma_start3A_74 : memref<128x128xf32, #tpu.memory_space<vmem>>) target_semaphore(%arg6 : memref<!tpu.dma_semaphore, #tpu.memory_space<semaphore_mem>>)
    %scan3A = arith.constant 0 : i32
    %scan3A_76 = arith.constant 0 : i32
    %scan3A_77 = arith.constant 10 : i32
    %scan3A_78 = arith.addi %scan3A_76, %scan3A_77 : i32
    %scan3A_79 = arith.constant 1 : i32
    scf.for %scan3A_81 = %scan3A_76 to %scan3A_78 step %scan3A_79  : i32 {
      %mul3A_82 = arith.constant 2 : i32
      %mul3A_83 = arith.muli %mul3A_82, %scan3A_81 : i32
      %add3A_84 = arith.constant 1 : i32
      %add3A_85 = arith.addi %mul3A_83, %add3A_84 : i32
      %mul3A_86 = arith.constant 20 : i32
      %mul3A_87 = arith.muli %add3A, %mul3A_86 : i32
      %add3A_88 = arith.addi %mul3A_87, %add3A_85 : i32
      %mul3A_89 = arith.constant 2 : i32
      %mul3A_90 = arith.muli %add3A_88, %mul3A_89 : i32
      %add3A_91 = arith.constant 0 : i32
      %add3A_92 = arith.addi %mul3A_90, %add3A_91 : i32
      %mul3A_93 = arith.constant 128 : i32
      %mul3A_94 = arith.muli %add3A_92, %mul3A_93 : i32
      %multiple_of3A_95 = tpu.assume_multiple %mul3A_94, 128 : i32
      %jit3A_96 = arith.constant 4 : i32
      %eq3A_97 = arith.constant 0 : i32
      %eq3A_98 = arith.cmpi eq, %jit3A_96, %eq3A_97 : i32
      %jit3A_99 = arith.constant 1 : i32
      %select_n3A_100 = arith.select %eq3A_98, %jit3A_99, %jit3A_96 : i32
      %rem3A_101 = arith.remsi %add3A_92, %select_n3A_100 : i32
      %ne3A_102 = arith.constant 0 : i32
      %ne3A_103 = arith.cmpi ne, %rem3A_101, %ne3A_102 : i32
      %lt3A_104 = arith.constant 0 : i32
      %lt3A_105 = arith.cmpi slt, %rem3A_101, %lt3A_104 : i32
      %lt3A_106 = arith.constant 0 : i32
      %lt3A_107 = arith.cmpi slt, %select_n3A_100, %lt3A_106 : i32
      %ne3A_108 = arith.xori %lt3A_105, %lt3A_107 : i1
      %and3A_109 = arith.andi %ne3A_108, %ne3A_103 : i1
      %add3A_110 = arith.addi %rem3A_101, %select_n3A_100 : i32
      %select_n3A_111 = arith.select %and3A_109, %add3A_110, %rem3A_101 : i32
      %mul3A_112 = arith.constant 128 : i32
      %mul3A_113 = arith.muli %select_n3A_111, %mul3A_112 : i32
      %multiple_of3A_114 = tpu.assume_multiple %mul3A_113, 128 : i32
      %dma_start3A_115 = arith.constant 1 : i32
      %dma_start3A_116 = arith.constant 0 : i32
      %dma_start3A_117 = arith.constant 0 : i32
      %dma_start3A_118 = arith.constant 0 : i32
      %dma_start3A_119 = tpu.memref_slice %arg4[%dma_start3A_115, %dma_start3A_116, %dma_start3A_117, %dma_start3A_118] : memref<2x2x128x128xf32, #tpu.memory_space<vmem>> -> memref<1x1x128x128xf32, #tpu.memory_space<vmem>>
      %dma_start3A_120 = tpu.memref_squeeze %dma_start3A_119 : memref<1x1x128x128xf32, #tpu.memory_space<vmem>> -> memref<128x128xf32, #tpu.memory_space<vmem>>
      %dma_start3A_121 = tpu.memref_slice %arg2[%multiple_of3A_95, %multiple_of3A_114] : memref<262144x512xf32, #tpu.memory_space<hbm>> -> memref<128x128xf32, #tpu.memory_space<hbm>>
      %dma_start3A_122 = arith.constant 0 : i32
      %dma_start3A_123 = arith.constant 0 : i32
      %dma_start3A_124 = tpu.memref_slice %arg4[%dma_start3A_115, %dma_start3A_116, %dma_start3A_122, %dma_start3A_123] : memref<2x2x128x128xf32, #tpu.memory_space<vmem>> -> memref<1x1x128x128xf32, #tpu.memory_space<vmem>>
      %dma_start3A_125 = tpu.memref_squeeze %dma_start3A_124 : memref<1x1x128x128xf32, #tpu.memory_space<vmem>> -> memref<128x128xf32, #tpu.memory_space<vmem>>
      %dma_start3A_126 = tpu.memref_slice %arg2[%multiple_of3A_95, %multiple_of3A_114] : memref<262144x512xf32, #tpu.memory_space<hbm>> -> memref<128x128xf32, #tpu.memory_space<hbm>>
      tpu.enqueue_dma source(%dma_start3A_126 : memref<128x128xf32, #tpu.memory_space<hbm>>) target(%dma_start3A_125 : memref<128x128xf32, #tpu.memory_space<vmem>>) target_semaphore(%arg7 : memref<!tpu.dma_semaphore, #tpu.memory_space<semaphore_mem>>)
      %mul3A_127 = arith.constant 20 : i32
      %mul3A_128 = arith.muli %add3A, %mul3A_127 : i32
      %add3A_129 = arith.addi %mul3A_128, %add3A_85 : i32
      %mul3A_130 = arith.constant 2 : i32
      %mul3A_131 = arith.muli %add3A_129, %mul3A_130 : i32
      %add3A_132 = arith.constant 1 : i32
      %add3A_133 = arith.addi %mul3A_131, %add3A_132 : i32
      %mul3A_134 = arith.constant 128 : i32
      %mul3A_135 = arith.muli %add3A_133, %mul3A_134 : i32
      %multiple_of3A_136 = tpu.assume_multiple %mul3A_135, 128 : i32
      %jit3A_137 = arith.constant 4 : i32
      %eq3A_138 = arith.constant 0 : i32
      %eq3A_139 = arith.cmpi eq, %jit3A_137, %eq3A_138 : i32
      %jit3A_140 = arith.constant 1 : i32
      %select_n3A_141 = arith.select %eq3A_139, %jit3A_140, %jit3A_137 : i32
      %rem3A_142 = arith.remsi %add3A_133, %select_n3A_141 : i32
      %ne3A_143 = arith.constant 0 : i32
      %ne3A_144 = arith.cmpi ne, %rem3A_142, %ne3A_143 : i32
      %lt3A_145 = arith.constant 0 : i32
      %lt3A_146 = arith.cmpi slt, %rem3A_142, %lt3A_145 : i32
      %lt3A_147 = arith.constant 0 : i32
      %lt3A_148 = arith.cmpi slt, %select_n3A_141, %lt3A_147 : i32
      %ne3A_149 = arith.xori %lt3A_146, %lt3A_148 : i1
      %and3A_150 = arith.andi %ne3A_149, %ne3A_144 : i1
      %add3A_151 = arith.addi %rem3A_142, %select_n3A_141 : i32
      %select_n3A_152 = arith.select %and3A_150, %add3A_151, %rem3A_142 : i32
      %mul3A_153 = arith.constant 128 : i32
      %mul3A_154 = arith.muli %select_n3A_152, %mul3A_153 : i32
      %multiple_of3A_155 = tpu.assume_multiple %mul3A_154, 128 : i32
      %dma_start3A_156 = arith.constant 1 : i32
      %dma_start3A_157 = arith.constant 1 : i32
      %dma_start3A_158 = arith.constant 0 : i32
      %dma_start3A_159 = arith.constant 0 : i32
      %dma_start3A_160 = tpu.memref_slice %arg4[%dma_start3A_156, %dma_start3A_157, %dma_start3A_158, %dma_start3A_159] : memref<2x2x128x128xf32, #tpu.memory_space<vmem>> -> memref<1x1x128x128xf32, #tpu.memory_space<vmem>>
      %dma_start3A_161 = tpu.memref_squeeze %dma_start3A_160 : memref<1x1x128x128xf32, #tpu.memory_space<vmem>> -> memref<128x128xf32, #tpu.memory_space<vmem>>
      %dma_start3A_162 = tpu.memref_slice %arg2[%multiple_of3A_136, %multiple_of3A_155] : memref<262144x512xf32, #tpu.memory_space<hbm>> -> memref<128x128xf32, #tpu.memory_space<hbm>>
      %dma_start3A_163 = arith.constant 0 : i32
      %dma_start3A_164 = arith.constant 0 : i32
      %dma_start3A_165 = tpu.memref_slice %arg4[%dma_start3A_156, %dma_start3A_157, %dma_start3A_163, %dma_start3A_164] : memref<2x2x128x128xf32, #tpu.memory_space<vmem>> -> memref<1x1x128x128xf32, #tpu.memory_space<vmem>>
      %dma_start3A_166 = tpu.memref_squeeze %dma_start3A_165 : memref<1x1x128x128xf32, #tpu.memory_space<vmem>> -> memref<128x128xf32, #tpu.memory_space<vmem>>
      %dma_start3A_167 = tpu.memref_slice %arg2[%multiple_of3A_136, %multiple_of3A_155] : memref<262144x512xf32, #tpu.memory_space<hbm>> -> memref<128x128xf32, #tpu.memory_space<hbm>>
      tpu.enqueue_dma source(%dma_start3A_167 : memref<128x128xf32, #tpu.memory_space<hbm>>) target(%dma_start3A_166 : memref<128x128xf32, #tpu.memory_space<vmem>>) target_semaphore(%arg7 : memref<!tpu.dma_semaphore, #tpu.memory_space<semaphore_mem>>)
      %mul3A_168 = arith.constant 2 : i32
      %mul3A_169 = arith.muli %mul3A_168, %scan3A_81 : i32
      %mul3A_170 = arith.constant 20 : i32
      %mul3A_171 = arith.muli %add3A, %mul3A_170 : i32
      %add3A_172 = arith.addi %mul3A_171, %mul3A_169 : i32
      %mul3A_173 = arith.constant 2 : i32
      %mul3A_174 = arith.muli %add3A_172, %mul3A_173 : i32
      %add3A_175 = arith.constant 0 : i32
      %add3A_176 = arith.addi %mul3A_174, %add3A_175 : i32
      %mul3A_177 = arith.constant 128 : i32
      %mul3A_178 = arith.muli %add3A_176, %mul3A_177 : i32
      %multiple_of3A_179 = tpu.assume_multiple %mul3A_178, 128 : i32
      %jit3A_180 = arith.constant 4 : i32
      %eq3A_181 = arith.constant 0 : i32
      %eq3A_182 = arith.cmpi eq, %jit3A_180, %eq3A_181 : i32
      %jit3A_183 = arith.constant 1 : i32
      %select_n3A_184 = arith.select %eq3A_182, %jit3A_183, %jit3A_180 : i32
      %rem3A_185 = arith.remsi %add3A_176, %select_n3A_184 : i32
      %ne3A_186 = arith.constant 0 : i32
      %ne3A_187 = arith.cmpi ne, %rem3A_185, %ne3A_186 : i32
      %lt3A_188 = arith.constant 0 : i32
      %lt3A_189 = arith.cmpi slt, %rem3A_185, %lt3A_188 : i32
      %lt3A_190 = arith.constant 0 : i32
      %lt3A_191 = arith.cmpi slt, %select_n3A_184, %lt3A_190 : i32
      %ne3A_192 = arith.xori %lt3A_189, %lt3A_191 : i1
      %and3A_193 = arith.andi %ne3A_192, %ne3A_187 : i1
      %add3A_194 = arith.addi %rem3A_185, %select_n3A_184 : i32
      %select_n3A_195 = arith.select %and3A_193, %add3A_194, %rem3A_185 : i32
      %mul3A_196 = arith.constant 128 : i32
      %mul3A_197 = arith.muli %select_n3A_195, %mul3A_196 : i32
      %multiple_of3A_198 = tpu.assume_multiple %mul3A_197, 128 : i32
      %dma_wait3A = arith.constant 0 : i32
      %dma_wait3A_199 = arith.constant 0 : i32
      %dma_wait3A_200 = arith.constant 0 : i32
      %dma_wait3A_201 = arith.constant 0 : i32
      %dma_wait3A_202 = tpu.memref_slice %arg4[%dma_wait3A, %dma_wait3A_199, %dma_wait3A_200, %dma_wait3A_201] : memref<2x2x128x128xf32, #tpu.memory_space<vmem>> -> memref<1x1x128x128xf32, #tpu.memory_space<vmem>>
      %dma_wait3A_203 = tpu.memref_squeeze %dma_wait3A_202 : memref<1x1x128x128xf32, #tpu.memory_space<vmem>> -> memref<128x128xf32, #tpu.memory_space<vmem>>
      %dma_wait3A_204 = tpu.memref_slice %arg2[%multiple_of3A_179, %multiple_of3A_198] : memref<262144x512xf32, #tpu.memory_space<hbm>> -> memref<128x128xf32, #tpu.memory_space<hbm>>
      %dma_wait3A_205 = arith.constant 0 : i32
      %dma_wait3A_206 = arith.constant 0 : i32
      %dma_wait3A_207 = tpu.memref_slice %arg4[%dma_wait3A, %dma_wait3A_199, %dma_wait3A_205, %dma_wait3A_206] : memref<2x2x128x128xf32, #tpu.memory_space<vmem>> -> memref<1x1x128x128xf32, #tpu.memory_space<vmem>>
      %dma_wait3A_208 = tpu.memref_squeeze %dma_wait3A_207 : memref<1x1x128x128xf32, #tpu.memory_space<vmem>> -> memref<128x128xf32, #tpu.memory_space<vmem>>
      %dma_wait3A_209 = tpu.memref_slice %arg2[%multiple_of3A_179, %multiple_of3A_198] : memref<262144x512xf32, #tpu.memory_space<hbm>> -> memref<128x128xf32, #tpu.memory_space<hbm>>
      tpu.wait_dma2 semaphore(%arg6 : memref<!tpu.dma_semaphore, #tpu.memory_space<semaphore_mem>>) src(%dma_wait3A_209 : memref<128x128xf32, #tpu.memory_space<hbm>>) dst(%dma_wait3A_208 : memref<128x128xf32, #tpu.memory_space<vmem>>)
      %mul3A_210 = arith.constant 20 : i32
      %mul3A_211 = arith.muli %add3A, %mul3A_210 : i32
      %add3A_212 = arith.addi %mul3A_211, %mul3A_169 : i32
      %mul3A_213 = arith.constant 2 : i32
      %mul3A_214 = arith.muli %add3A_212, %mul3A_213 : i32
      %add3A_215 = arith.constant 1 : i32
      %add3A_216 = arith.addi %mul3A_214, %add3A_215 : i32
      %mul3A_217 = arith.constant 128 : i32
      %mul3A_218 = arith.muli %add3A_216, %mul3A_217 : i32
      %multiple_of3A_219 = tpu.assume_multiple %mul3A_218, 128 : i32
      %jit3A_220 = arith.constant 4 : i32
      %eq3A_221 = arith.constant 0 : i32
      %eq3A_222 = arith.cmpi eq, %jit3A_220, %eq3A_221 : i32
      %jit3A_223 = arith.constant 1 : i32
      %select_n3A_224 = arith.select %eq3A_222, %jit3A_223, %jit3A_220 : i32
      %rem3A_225 = arith.remsi %add3A_216, %select_n3A_224 : i32
      %ne3A_226 = arith.constant 0 : i32
      %ne3A_227 = arith.cmpi ne, %rem3A_225, %ne3A_226 : i32
      %lt3A_228 = arith.constant 0 : i32
      %lt3A_229 = arith.cmpi slt, %rem3A_225, %lt3A_228 : i32
      %lt3A_230 = arith.constant 0 : i32
      %lt3A_231 = arith.cmpi slt, %select_n3A_224, %lt3A_230 : i32
      %ne3A_232 = arith.xori %lt3A_229, %lt3A_231 : i1
      %and3A_233 = arith.andi %ne3A_232, %ne3A_227 : i1
      %add3A_234 = arith.addi %rem3A_225, %select_n3A_224 : i32
      %select_n3A_235 = arith.select %and3A_233, %add3A_234, %rem3A_225 : i32
      %mul3A_236 = arith.constant 128 : i32
      %mul3A_237 = arith.muli %select_n3A_235, %mul3A_236 : i32
      %multiple_of3A_238 = tpu.assume_multiple %mul3A_237, 128 : i32
      %dma_wait3A_239 = arith.constant 0 : i32
      %dma_wait3A_240 = arith.constant 1 : i32
      %dma_wait3A_241 = arith.constant 0 : i32
      %dma_wait3A_242 = arith.constant 0 : i32
      %dma_wait3A_243 = tpu.memref_slice %arg4[%dma_wait3A_239, %dma_wait3A_240, %dma_wait3A_241, %dma_wait3A_242] : memref<2x2x128x128xf32, #tpu.memory_space<vmem>> -> memref<1x1x128x128xf32, #tpu.memory_space<vmem>>
      %dma_wait3A_244 = tpu.memref_squeeze %dma_wait3A_243 : memref<1x1x128x128xf32, #tpu.memory_space<vmem>> -> memref<128x128xf32, #tpu.memory_space<vmem>>
      %dma_wait3A_245 = tpu.memref_slice %arg2[%multiple_of3A_219, %multiple_of3A_238] : memref<262144x512xf32, #tpu.memory_space<hbm>> -> memref<128x128xf32, #tpu.memory_space<hbm>>
      %dma_wait3A_246 = arith.constant 0 : i32
      %dma_wait3A_247 = arith.constant 0 : i32
      %dma_wait3A_248 = tpu.memref_slice %arg4[%dma_wait3A_239, %dma_wait3A_240, %dma_wait3A_246, %dma_wait3A_247] : memref<2x2x128x128xf32, #tpu.memory_space<vmem>> -> memref<1x1x128x128xf32, #tpu.memory_space<vmem>>
      %dma_wait3A_249 = tpu.memref_squeeze %dma_wait3A_248 : memref<1x1x128x128xf32, #tpu.memory_space<vmem>> -> memref<128x128xf32, #tpu.memory_space<vmem>>
      %dma_wait3A_250 = tpu.memref_slice %arg2[%multiple_of3A_219, %multiple_of3A_238] : memref<262144x512xf32, #tpu.memory_space<hbm>> -> memref<128x128xf32, #tpu.memory_space<hbm>>
      tpu.wait_dma2 semaphore(%arg6 : memref<!tpu.dma_semaphore, #tpu.memory_space<semaphore_mem>>) src(%dma_wait3A_250 : memref<128x128xf32, #tpu.memory_space<hbm>>) dst(%dma_wait3A_249 : memref<128x128xf32, #tpu.memory_space<vmem>>)
      %add3A_251 = arith.constant 0 : i32
      %add3A_252 = vector.broadcast %add3A_251 : i32 to vector<16xi32>
      %add3A_253 = arith.addi %add3A_252, %iota3A : vector<16xi32>
      %gather3A = arith.constant 0 : i32
      %gather3A_254 = arith.constant 0 : i32
      %gather3A_255 = arith.constant 0 : i32
      %gather3A_256 = arith.constant 0 : i32
      %gather3A_257 = tpu.memref_slice %arg4[%gather3A, %gather3A_254, %gather3A_255, %gather3A_256] : memref<2x2x128x128xf32, #tpu.memory_space<vmem>> -> memref<1x1x128x128xf32, #tpu.memory_space<vmem>>
      %gather3A_258 = tpu.memref_squeeze %gather3A_257 : memref<1x1x128x128xf32, #tpu.memory_space<vmem>> -> memref<128x128xf32, #tpu.memory_space<vmem>>
      %gather3A_259 = tpu.vector_load_idx %gather3A_258[%add3A_253, %add3A_253] : memref<128x128xf32, #tpu.memory_space<vmem>>[vector<16xi32>, vector<16xi32>], vector<16xf32>,
      %mul3A_260 = arith.constant 512 : i32
      %mul3A_261 = arith.muli %scan3A_81, %mul3A_260 : i32
      %add3A_262 = arith.constant 0 : i32
      %add3A_263 = arith.addi %mul3A_261, %add3A_262 : i32
      %add3A_264 = arith.constant 0 : i32
      %add3A_265 = arith.addi %add3A_263, %add3A_264 : i32
      %swap3A = arith.index_cast %add3A_265 : i32 to index
      %swap3A_266 = tpu.vector_load %arg5[%swap3A] {strides = array<i32>} : memref<5120xf32, #tpu.memory_space<vmem>>, vector<16xf32>,
      tpu.vector_store %arg5[%swap3A], %gather3A_259 {strides = array<i32>} : memref<5120xf32, #tpu.memory_space<vmem>>, vector<16xf32>,
      %add3A_267 = arith.constant 16 : i32
      %add3A_268 = vector.broadcast %add3A_267 : i32 to vector<16xi32>
      %add3A_269 = arith.addi %add3A_268, %iota3A : vector<16xi32>
      %gather3A_270 = arith.constant 0 : i32
      %gather3A_271 = arith.constant 0 : i32
      %gather3A_272 = arith.constant 0 : i32
      %gather3A_273 = arith.constant 0 : i32
      %gather3A_274 = tpu.memref_slice %arg4[%gather3A_270, %gather3A_271, %gather3A_272, %gather3A_273] : memref<2x2x128x128xf32, #tpu.memory_space<vmem>> -> memref<1x1x128x128xf32, #tpu.memory_space<vmem>>
      %gather3A_275 = tpu.memref_squeeze %gather3A_274 : memref<1x1x128x128xf32, #tpu.memory_space<vmem>> -> memref<128x128xf32, #tpu.memory_space<vmem>>
      %gather3A_276 = tpu.vector_load_idx %gather3A_275[%add3A_269, %add3A_269] : memref<128x128xf32, #tpu.memory_space<vmem>>[vector<16xi32>, vector<16xi32>], vector<16xf32>,
      %mul3A_277 = arith.constant 512 : i32
      %mul3A_278 = arith.muli %scan3A_81, %mul3A_277 : i32
      %add3A_279 = arith.constant 0 : i32
      %add3A_280 = arith.addi %mul3A_278, %add3A_279 : i32
      %add3A_281 = arith.constant 16 : i32
      %add3A_282 = arith.addi %add3A_280, %add3A_281 : i32
      %swap3A_283 = arith.index_cast %add3A_282 : i32 to index
      %swap3A_284 = tpu.vector_load %arg5[%swap3A_283] {strides = array<i32>} : memref<5120xf32, #tpu.memory_space<vmem>>, vector<16xf32>,
      tpu.vector_store %arg5[%swap3A_283], %gather3A_276 {strides = array<i32>} : memref<5120xf32, #tpu.memory_space<vmem>>, vector<16xf32>,
      %add3A_285 = arith.constant 32 : i32
      %add3A_286 = vector.broadcast %add3A_285 : i32 to vector<16xi32>
      %add3A_287 = arith.addi %add3A_286, %iota3A : vector<16xi32>
      %gather3A_288 = arith.constant 0 : i32
      %gather3A_289 = arith.constant 0 : i32
      %gather3A_290 = arith.constant 0 : i32
      %gather3A_291 = arith.constant 0 : i32
      %gather3A_292 = tpu.memref_slice %arg4[%gather3A_288, %gather3A_289, %gather3A_290, %gather3A_291] : memref<2x2x128x128xf32, #tpu.memory_space<vmem>> -> memref<1x1x128x128xf32, #tpu.memory_space<vmem>>
      %gather3A_293 = tpu.memref_squeeze %gather3A_292 : memref<1x1x128x128xf32, #tpu.memory_space<vmem>> -> memref<128x128xf32, #tpu.memory_space<vmem>>
      %gather3A_294 = tpu.vector_load_idx %gather3A_293[%add3A_287, %add3A_287] : memref<128x128xf32, #tpu.memory_space<vmem>>[vector<16xi32>, vector<16xi32>], vector<16xf32>,
      %mul3A_295 = arith.constant 512 : i32
      %mul3A_296 = arith.muli %scan3A_81, %mul3A_295 : i32
      %add3A_297 = arith.constant 0 : i32
      %add3A_298 = arith.addi %mul3A_296, %add3A_297 : i32
      %add3A_299 = arith.constant 32 : i32
      %add3A_300 = arith.addi %add3A_298, %add3A_299 : i32
      %swap3A_301 = arith.index_cast %add3A_300 : i32 to index
      %swap3A_302 = tpu.vector_load %arg5[%swap3A_301] {strides = array<i32>} : memref<5120xf32, #tpu.memory_space<vmem>>, vector<16xf32>,
      tpu.vector_store %arg5[%swap3A_301], %gather3A_294 {strides = array<i32>} : memref<5120xf32, #tpu.memory_space<vmem>>, vector<16xf32>,
      %add3A_303 = arith.constant 48 : i32
      %add3A_304 = vector.broadcast %add3A_303 : i32 to vector<16xi32>
      %add3A_305 = arith.addi %add3A_304, %iota3A : vector<16xi32>
      %gather3A_306 = arith.constant 0 : i32
      %gather3A_307 = arith.constant 0 : i32
      %gather3A_308 = arith.constant 0 : i32
      %gather3A_309 = arith.constant 0 : i32
      %gather3A_310 = tpu.memref_slice %arg4[%gather3A_306, %gather3A_307, %gather3A_308, %gather3A_309] : memref<2x2x128x128xf32, #tpu.memory_space<vmem>> -> memref<1x1x128x128xf32, #tpu.memory_space<vmem>>
      %gather3A_311 = tpu.memref_squeeze %gather3A_310 : memref<1x1x128x128xf32, #tpu.memory_space<vmem>> -> memref<128x128xf32, #tpu.memory_space<vmem>>
      %gather3A_312 = tpu.vector_load_idx %gather3A_311[%add3A_305, %add3A_305] : memref<128x128xf32, #tpu.memory_space<vmem>>[vector<16xi32>, vector<16xi32>], vector<16xf32>,
      %mul3A_313 = arith.constant 512 : i32
      %mul3A_314 = arith.muli %scan3A_81, %mul3A_313 : i32
      %add3A_315 = arith.constant 0 : i32
      %add3A_316 = arith.addi %mul3A_314, %add3A_315 : i32
      %add3A_317 = arith.constant 48 : i32
      %add3A_318 = arith.addi %add3A_316, %add3A_317 : i32
      %swap3A_319 = arith.index_cast %add3A_318 : i32 to index
      %swap3A_320 = tpu.vector_load %arg5[%swap3A_319] {strides = array<i32>} : memref<5120xf32, #tpu.memory_space<vmem>>, vector<16xf32>,
      tpu.vector_store %arg5[%swap3A_319], %gather3A_312 {strides = array<i32>} : memref<5120xf32, #tpu.memory_space<vmem>>, vector<16xf32>,
      %add3A_321 = arith.constant 64 : i32
      %add3A_322 = vector.broadcast %add3A_321 : i32 to vector<16xi32>
      %add3A_323 = arith.addi %add3A_322, %iota3A : vector<16xi32>
      %gather3A_324 = arith.constant 0 : i32
      %gather3A_325 = arith.constant 0 : i32
      %gather3A_326 = arith.constant 0 : i32
      %gather3A_327 = arith.constant 0 : i32
      %gather3A_328 = tpu.memref_slice %arg4[%gather3A_324, %gather3A_325, %gather3A_326, %gather3A_327] : memref<2x2x128x128xf32, #tpu.memory_space<vmem>> -> memref<1x1x128x128xf32, #tpu.memory_space<vmem>>
      %gather3A_329 = tpu.memref_squeeze %gather3A_328 : memref<1x1x128x128xf32, #tpu.memory_space<vmem>> -> memref<128x128xf32, #tpu.memory_space<vmem>>
      %gather3A_330 = tpu.vector_load_idx %gather3A_329[%add3A_323, %add3A_323] : memref<128x128xf32, #tpu.memory_space<vmem>>[vector<16xi32>, vector<16xi32>], vector<16xf32>,
      %mul3A_331 = arith.constant 512 : i32
      %mul3A_332 = arith.muli %scan3A_81, %mul3A_331 : i32
      %add3A_333 = arith.constant 0 : i32
      %add3A_334 = arith.addi %mul3A_332, %add3A_333 : i32
      %add3A_335 = arith.constant 64 : i32
      %add3A_336 = arith.addi %add3A_334, %add3A_335 : i32
      %swap3A_337 = arith.index_cast %add3A_336 : i32 to index
      %swap3A_338 = tpu.vector_load %arg5[%swap3A_337] {strides = array<i32>} : memref<5120xf32, #tpu.memory_space<vmem>>, vector<16xf32>,
      tpu.vector_store %arg5[%swap3A_337], %gather3A_330 {strides = array<i32>} : memref<5120xf32, #tpu.memory_space<vmem>>, vector<16xf32>,
      %add3A_339 = arith.constant 80 : i32
      %add3A_340 = vector.broadcast %add3A_339 : i32 to vector<16xi32>
      %add3A_341 = arith.addi %add3A_340, %iota3A : vector<16xi32>
      %gather3A_342 = arith.constant 0 : i32
      %gather3A_343 = arith.constant 0 : i32
      %gather3A_344 = arith.constant 0 : i32
      %gather3A_345 = arith.constant 0 : i32
      %gather3A_346 = tpu.memref_slice %arg4[%gather3A_342, %gather3A_343, %gather3A_344, %gather3A_345] : memref<2x2x128x128xf32, #tpu.memory_space<vmem>> -> memref<1x1x128x128xf32, #tpu.memory_space<vmem>>
      %gather3A_347 = tpu.memref_squeeze %gather3A_346 : memref<1x1x128x128xf32, #tpu.memory_space<vmem>> -> memref<128x128xf32, #tpu.memory_space<vmem>>
      %gather3A_348 = tpu.vector_load_idx %gather3A_347[%add3A_341, %add3A_341] : memref<128x128xf32, #tpu.memory_space<vmem>>[vector<16xi32>, vector<16xi32>], vector<16xf32>,
      %mul3A_349 = arith.constant 512 : i32
      %mul3A_350 = arith.muli %scan3A_81, %mul3A_349 : i32
      %add3A_351 = arith.constant 0 : i32
      %add3A_352 = arith.addi %mul3A_350, %add3A_351 : i32
      %add3A_353 = arith.constant 80 : i32
      %add3A_354 = arith.addi %add3A_352, %add3A_353 : i32
      %swap3A_355 = arith.index_cast %add3A_354 : i32 to index
      %swap3A_356 = tpu.vector_load %arg5[%swap3A_355] {strides = array<i32>} : memref<5120xf32, #tpu.memory_space<vmem>>, vector<16xf32>,
      tpu.vector_store %arg5[%swap3A_355], %gather3A_348 {strides = array<i32>} : memref<5120xf32, #tpu.memory_space<vmem>>, vector<16xf32>,
      %add3A_357 = arith.constant 96 : i32
      %add3A_358 = vector.broadcast %add3A_357 : i32 to vector<16xi32>
      %add3A_359 = arith.addi %add3A_358, %iota3A : vector<16xi32>
      %gather3A_360 = arith.constant 0 : i32
      %gather3A_361 = arith.constant 0 : i32
      %gather3A_362 = arith.constant 0 : i32
      %gather3A_363 = arith.constant 0 : i32
      %gather3A_364 = tpu.memref_slice %arg4[%gather3A_360, %gather3A_361, %gather3A_362, %gather3A_363] : memref<2x2x128x128xf32, #tpu.memory_space<vmem>> -> memref<1x1x128x128xf32, #tpu.memory_space<vmem>>
      %gather3A_365 = tpu.memref_squeeze %gather3A_364 : memref<1x1x128x128xf32, #tpu.memory_space<vmem>> -> memref<128x128xf32, #tpu.memory_space<vmem>>
      %gather3A_366 = tpu.vector_load_idx %gather3A_365[%add3A_359, %add3A_359] : memref<128x128xf32, #tpu.memory_space<vmem>>[vector<16xi32>, vector<16xi32>], vector<16xf32>,
      %mul3A_367 = arith.constant 512 : i32
      %mul3A_368 = arith.muli %scan3A_81, %mul3A_367 : i32
      %add3A_369 = arith.constant 0 : i32
      %add3A_370 = arith.addi %mul3A_368, %add3A_369 : i32
      %add3A_371 = arith.constant 96 : i32
      %add3A_372 = arith.addi %add3A_370, %add3A_371 : i32
      %swap3A_373 = arith.index_cast %add3A_372 : i32 to index
      %swap3A_374 = tpu.vector_load %arg5[%swap3A_373] {strides = array<i32>} : memref<5120xf32, #tpu.memory_space<vmem>>, vector<16xf32>,
      tpu.vector_store %arg5[%swap3A_373], %gather3A_366 {strides = array<i32>} : memref<5120xf32, #tpu.memory_space<vmem>>, vector<16xf32>,
      %add3A_375 = arith.constant 112 : i32
      %add3A_376 = vector.broadcast %add3A_375 : i32 to vector<16xi32>
      %add3A_377 = arith.addi %add3A_376, %iota3A : vector<16xi32>
      %gather3A_378 = arith.constant 0 : i32
      %gather3A_379 = arith.constant 0 : i32
      %gather3A_380 = arith.constant 0 : i32
      %gather3A_381 = arith.constant 0 : i32
      %gather3A_382 = tpu.memref_slice %arg4[%gather3A_378, %gather3A_379, %gather3A_380, %gather3A_381] : memref<2x2x128x128xf32, #tpu.memory_space<vmem>> -> memref<1x1x128x128xf32, #tpu.memory_space<vmem>>
      %gather3A_383 = tpu.memref_squeeze %gather3A_382 : memref<1x1x128x128xf32, #tpu.memory_space<vmem>> -> memref<128x128xf32, #tpu.memory_space<vmem>>
      %gather3A_384 = tpu.vector_load_idx %gather3A_383[%add3A_377, %add3A_377] : memref<128x128xf32, #tpu.memory_space<vmem>>[vector<16xi32>, vector<16xi32>], vector<16xf32>,
      %mul3A_385 = arith.constant 512 : i32
      %mul3A_386 = arith.muli %scan3A_81, %mul3A_385 : i32
      %add3A_387 = arith.constant 0 : i32
      %add3A_388 = arith.addi %mul3A_386, %add3A_387 : i32
      %add3A_389 = arith.constant 112 : i32
      %add3A_390 = arith.addi %add3A_388, %add3A_389 : i32
      %swap3A_391 = arith.index_cast %add3A_390 : i32 to index
      %swap3A_392 = tpu.vector_load %arg5[%swap3A_391] {strides = array<i32>} : memref<5120xf32, #tpu.memory_space<vmem>>, vector<16xf32>,
      tpu.vector_store %arg5[%swap3A_391], %gather3A_384 {strides = array<i32>} : memref<5120xf32, #tpu.memory_space<vmem>>, vector<16xf32>,
      %add3A_393 = arith.constant 0 : i32
      %add3A_394 = vector.broadcast %add3A_393 : i32 to vector<16xi32>
      %add3A_395 = arith.addi %add3A_394, %iota3A : vector<16xi32>
      %gather3A_396 = arith.constant 0 : i32
      %gather3A_397 = arith.constant 1 : i32
      %gather3A_398 = arith.constant 0 : i32
      %gather3A_399 = arith.constant 0 : i32
      %gather3A_400 = tpu.memref_slice %arg4[%gather3A_396, %gather3A_397, %gather3A_398, %gather3A_399] : memref<2x2x128x128xf32, #tpu.memory_space<vmem>> -> memref<1x1x128x128xf32, #tpu.memory_space<vmem>>
      %gather3A_401 = tpu.memref_squeeze %gather3A_400 : memref<1x1x128x128xf32, #tpu.memory_space<vmem>> -> memref<128x128xf32, #tpu.memory_space<vmem>>
      %gather3A_402 = tpu.vector_load_idx %gather3A_401[%add3A_395, %add3A_395] : memref<128x128xf32, #tpu.memory_space<vmem>>[vector<16xi32>, vector<16xi32>], vector<16xf32>,
      %mul3A_403 = arith.constant 512 : i32
      %mul3A_404 = arith.muli %scan3A_81, %mul3A_403 : i32
      %add3A_405 = arith.constant 128 : i32
      %add3A_406 = arith.addi %mul3A_404, %add3A_405 : i32
      %add3A_407 = arith.constant 0 : i32
      %add3A_408 = arith.addi %add3A_406, %add3A_407 : i32
      %swap3A_409 = arith.index_cast %add3A_408 : i32 to index
      %swap3A_410 = tpu.vector_load %arg5[%swap3A_409] {strides = array<i32>} : memref<5120xf32, #tpu.memory_space<vmem>>, vector<16xf32>,
      tpu.vector_store %arg5[%swap3A_409], %gather3A_402 {strides = array<i32>} : memref<5120xf32, #tpu.memory_space<vmem>>, vector<16xf32>,
      %add3A_411 = arith.constant 16 : i32
      %add3A_412 = vector.broadcast %add3A_411 : i32 to vector<16xi32>
      %add3A_413 = arith.addi %add3A_412, %iota3A : vector<16xi32>
      %gather3A_414 = arith.constant 0 : i32
      %gather3A_415 = arith.constant 1 : i32
      %gather3A_416 = arith.constant 0 : i32
      %gather3A_417 = arith.constant 0 : i32
      %gather3A_418 = tpu.memref_slice %arg4[%gather3A_414, %gather3A_415, %gather3A_416, %gather3A_417] : memref<2x2x128x128xf32, #tpu.memory_space<vmem>> -> memref<1x1x128x128xf32, #tpu.memory_space<vmem>>
      %gather3A_419 = tpu.memref_squeeze %gather3A_418 : memref<1x1x128x128xf32, #tpu.memory_space<vmem>> -> memref<128x128xf32, #tpu.memory_space<vmem>>
      %gather3A_420 = tpu.vector_load_idx %gather3A_419[%add3A_413, %add3A_413] : memref<128x128xf32, #tpu.memory_space<vmem>>[vector<16xi32>, vector<16xi32>], vector<16xf32>,
      %mul3A_421 = arith.constant 512 : i32
      %mul3A_422 = arith.muli %scan3A_81, %mul3A_421 : i32
      %add3A_423 = arith.constant 128 : i32
      %add3A_424 = arith.addi %mul3A_422, %add3A_423 : i32
      %add3A_425 = arith.constant 16 : i32
      %add3A_426 = arith.addi %add3A_424, %add3A_425 : i32
      %swap3A_427 = arith.index_cast %add3A_426 : i32 to index
      %swap3A_428 = tpu.vector_load %arg5[%swap3A_427] {strides = array<i32>} : memref<5120xf32, #tpu.memory_space<vmem>>, vector<16xf32>,
      tpu.vector_store %arg5[%swap3A_427], %gather3A_420 {strides = array<i32>} : memref<5120xf32, #tpu.memory_space<vmem>>, vector<16xf32>,
      %add3A_429 = arith.constant 32 : i32
      %add3A_430 = vector.broadcast %add3A_429 : i32 to vector<16xi32>
      %add3A_431 = arith.addi %add3A_430, %iota3A : vector<16xi32>
      %gather3A_432 = arith.constant 0 : i32
      %gather3A_433 = arith.constant 1 : i32
      %gather3A_434 = arith.constant 0 : i32
      %gather3A_435 = arith.constant 0 : i32
      %gather3A_436 = tpu.memref_slice %arg4[%gather3A_432, %gather3A_433, %gather3A_434, %gather3A_435] : memref<2x2x128x128xf32, #tpu.memory_space<vmem>> -> memref<1x1x128x128xf32, #tpu.memory_space<vmem>>
      %gather3A_437 = tpu.memref_squeeze %gather3A_436 : memref<1x1x128x128xf32, #tpu.memory_space<vmem>> -> memref<128x128xf32, #tpu.memory_space<vmem>>
      %gather3A_438 = tpu.vector_load_idx %gather3A_437[%add3A_431, %add3A_431] : memref<128x128xf32, #tpu.memory_space<vmem>>[vector<16xi32>, vector<16xi32>], vector<16xf32>,
      %mul3A_439 = arith.constant 512 : i32
      %mul3A_440 = arith.muli %scan3A_81, %mul3A_439 : i32
      %add3A_441 = arith.constant 128 : i32
      %add3A_442 = arith.addi %mul3A_440, %add3A_441 : i32
      %add3A_443 = arith.constant 32 : i32
      %add3A_444 = arith.addi %add3A_442, %add3A_443 : i32
      %swap3A_445 = arith.index_cast %add3A_444 : i32 to index
      %swap3A_446 = tpu.vector_load %arg5[%swap3A_445] {strides = array<i32>} : memref<5120xf32, #tpu.memory_space<vmem>>, vector<16xf32>,
      tpu.vector_store %arg5[%swap3A_445], %gather3A_438 {strides = array<i32>} : memref<5120xf32, #tpu.memory_space<vmem>>, vector<16xf32>,
      %add3A_447 = arith.constant 48 : i32
      %add3A_448 = vector.broadcast %add3A_447 : i32 to vector<16xi32>
      %add3A_449 = arith.addi %add3A_448, %iota3A : vector<16xi32>
      %gather3A_450 = arith.constant 0 : i32
      %gather3A_451 = arith.constant 1 : i32
      %gather3A_452 = arith.constant 0 : i32
      %gather3A_453 = arith.constant 0 : i32
      %gather3A_454 = tpu.memref_slice %arg4[%gather3A_450, %gather3A_451, %gather3A_452, %gather3A_453] : memref<2x2x128x128xf32, #tpu.memory_space<vmem>> -> memref<1x1x128x128xf32, #tpu.memory_space<vmem>>
      %gather3A_455 = tpu.memref_squeeze %gather3A_454 : memref<1x1x128x128xf32, #tpu.memory_space<vmem>> -> memref<128x128xf32, #tpu.memory_space<vmem>>
      %gather3A_456 = tpu.vector_load_idx %gather3A_455[%add3A_449, %add3A_449] : memref<128x128xf32, #tpu.memory_space<vmem>>[vector<16xi32>, vector<16xi32>], vector<16xf32>,
      %mul3A_457 = arith.constant 512 : i32
      %mul3A_458 = arith.muli %scan3A_81, %mul3A_457 : i32
      %add3A_459 = arith.constant 128 : i32
      %add3A_460 = arith.addi %mul3A_458, %add3A_459 : i32
      %add3A_461 = arith.constant 48 : i32
      %add3A_462 = arith.addi %add3A_460, %add3A_461 : i32
      %swap3A_463 = arith.index_cast %add3A_462 : i32 to index
      %swap3A_464 = tpu.vector_load %arg5[%swap3A_463] {strides = array<i32>} : memref<5120xf32, #tpu.memory_space<vmem>>, vector<16xf32>,
      tpu.vector_store %arg5[%swap3A_463], %gather3A_456 {strides = array<i32>} : memref<5120xf32, #tpu.memory_space<vmem>>, vector<16xf32>,
      %add3A_465 = arith.constant 64 : i32
      %add3A_466 = vector.broadcast %add3A_465 : i32 to vector<16xi32>
      %add3A_467 = arith.addi %add3A_466, %iota3A : vector<16xi32>
      %gather3A_468 = arith.constant 0 : i32
      %gather3A_469 = arith.constant 1 : i32
      %gather3A_470 = arith.constant 0 : i32
      %gather3A_471 = arith.constant 0 : i32
      %gather3A_472 = tpu.memref_slice %arg4[%gather3A_468, %gather3A_469, %gather3A_470, %gather3A_471] : memref<2x2x128x128xf32, #tpu.memory_space<vmem>> -> memref<1x1x128x128xf32, #tpu.memory_space<vmem>>
      %gather3A_473 = tpu.memref_squeeze %gather3A_472 : memref<1x1x128x128xf32, #tpu.memory_space<vmem>> -> memref<128x128xf32, #tpu.memory_space<vmem>>
      %gather3A_474 = tpu.vector_load_idx %gather3A_473[%add3A_467, %add3A_467] : memref<128x128xf32, #tpu.memory_space<vmem>>[vector<16xi32>, vector<16xi32>], vector<16xf32>,
      %mul3A_475 = arith.constant 512 : i32
      %mul3A_476 = arith.muli %scan3A_81, %mul3A_475 : i32
      %add3A_477 = arith.constant 128 : i32
      %add3A_478 = arith.addi %mul3A_476, %add3A_477 : i32
      %add3A_479 = arith.constant 64 : i32
      %add3A_480 = arith.addi %add3A_478, %add3A_479 : i32
      %swap3A_481 = arith.index_cast %add3A_480 : i32 to index
      %swap3A_482 = tpu.vector_load %arg5[%swap3A_481] {strides = array<i32>} : memref<5120xf32, #tpu.memory_space<vmem>>, vector<16xf32>,
      tpu.vector_store %arg5[%swap3A_481], %gather3A_474 {strides = array<i32>} : memref<5120xf32, #tpu.memory_space<vmem>>, vector<16xf32>,
      %add3A_483 = arith.constant 80 : i32
      %add3A_484 = vector.broadcast %add3A_483 : i32 to vector<16xi32>
      %add3A_485 = arith.addi %add3A_484, %iota3A : vector<16xi32>
      %gather3A_486 = arith.constant 0 : i32
      %gather3A_487 = arith.constant 1 : i32
      %gather3A_488 = arith.constant 0 : i32
      %gather3A_489 = arith.constant 0 : i32
      %gather3A_490 = tpu.memref_slice %arg4[%gather3A_486, %gather3A_487, %gather3A_488, %gather3A_489] : memref<2x2x128x128xf32, #tpu.memory_space<vmem>> -> memref<1x1x128x128xf32, #tpu.memory_space<vmem>>
      %gather3A_491 = tpu.memref_squeeze %gather3A_490 : memref<1x1x128x128xf32, #tpu.memory_space<vmem>> -> memref<128x128xf32, #tpu.memory_space<vmem>>
      %gather3A_492 = tpu.vector_load_idx %gather3A_491[%add3A_485, %add3A_485] : memref<128x128xf32, #tpu.memory_space<vmem>>[vector<16xi32>, vector<16xi32>], vector<16xf32>,
      %mul3A_493 = arith.constant 512 : i32
      %mul3A_494 = arith.muli %scan3A_81, %mul3A_493 : i32
      %add3A_495 = arith.constant 128 : i32
      %add3A_496 = arith.addi %mul3A_494, %add3A_495 : i32
      %add3A_497 = arith.constant 80 : i32
      %add3A_498 = arith.addi %add3A_496, %add3A_497 : i32
      %swap3A_499 = arith.index_cast %add3A_498 : i32 to index
      %swap3A_500 = tpu.vector_load %arg5[%swap3A_499] {strides = array<i32>} : memref<5120xf32, #tpu.memory_space<vmem>>, vector<16xf32>,
      tpu.vector_store %arg5[%swap3A_499], %gather3A_492 {strides = array<i32>} : memref<5120xf32, #tpu.memory_space<vmem>>, vector<16xf32>,
      %add3A_501 = arith.constant 96 : i32
      %add3A_502 = vector.broadcast %add3A_501 : i32 to vector<16xi32>
      %add3A_503 = arith.addi %add3A_502, %iota3A : vector<16xi32>
      %gather3A_504 = arith.constant 0 : i32
      %gather3A_505 = arith.constant 1 : i32
      %gather3A_506 = arith.constant 0 : i32
      %gather3A_507 = arith.constant 0 : i32
      %gather3A_508 = tpu.memref_slice %arg4[%gather3A_504, %gather3A_505, %gather3A_506, %gather3A_507] : memref<2x2x128x128xf32, #tpu.memory_space<vmem>> -> memref<1x1x128x128xf32, #tpu.memory_space<vmem>>
      %gather3A_509 = tpu.memref_squeeze %gather3A_508 : memref<1x1x128x128xf32, #tpu.memory_space<vmem>> -> memref<128x128xf32, #tpu.memory_space<vmem>>
      %gather3A_510 = tpu.vector_load_idx %gather3A_509[%add3A_503, %add3A_503] : memref<128x128xf32, #tpu.memory_space<vmem>>[vector<16xi32>, vector<16xi32>], vector<16xf32>,
      %mul3A_511 = arith.constant 512 : i32
      %mul3A_512 = arith.muli %scan3A_81, %mul3A_511 : i32
      %add3A_513 = arith.constant 128 : i32
      %add3A_514 = arith.addi %mul3A_512, %add3A_513 : i32
      %add3A_515 = arith.constant 96 : i32
      %add3A_516 = arith.addi %add3A_514, %add3A_515 : i32
      %swap3A_517 = arith.index_cast %add3A_516 : i32 to index
      %swap3A_518 = tpu.vector_load %arg5[%swap3A_517] {strides = array<i32>} : memref<5120xf32, #tpu.memory_space<vmem>>, vector<16xf32>,
      tpu.vector_store %arg5[%swap3A_517], %gather3A_510 {strides = array<i32>} : memref<5120xf32, #tpu.memory_space<vmem>>, vector<16xf32>,
      %add3A_519 = arith.constant 112 : i32
      %add3A_520 = vector.broadcast %add3A_519 : i32 to vector<16xi32>
      %add3A_521 = arith.addi %add3A_520, %iota3A : vector<16xi32>
      %gather3A_522 = arith.constant 0 : i32
      %gather3A_523 = arith.constant 1 : i32
      %gather3A_524 = arith.constant 0 : i32
      %gather3A_525 = arith.constant 0 : i32
      %gather3A_526 = tpu.memref_slice %arg4[%gather3A_522, %gather3A_523, %gather3A_524, %gather3A_525] : memref<2x2x128x128xf32, #tpu.memory_space<vmem>> -> memref<1x1x128x128xf32, #tpu.memory_space<vmem>>
      %gather3A_527 = tpu.memref_squeeze %gather3A_526 : memref<1x1x128x128xf32, #tpu.memory_space<vmem>> -> memref<128x128xf32, #tpu.memory_space<vmem>>
      %gather3A_528 = tpu.vector_load_idx %gather3A_527[%add3A_521, %add3A_521] : memref<128x128xf32, #tpu.memory_space<vmem>>[vector<16xi32>, vector<16xi32>], vector<16xf32>,
      %mul3A_529 = arith.constant 512 : i32
      %mul3A_530 = arith.muli %scan3A_81, %mul3A_529 : i32
      %add3A_531 = arith.constant 128 : i32
      %add3A_532 = arith.addi %mul3A_530, %add3A_531 : i32
      %add3A_533 = arith.constant 112 : i32
      %add3A_534 = arith.addi %add3A_532, %add3A_533 : i32
      %swap3A_535 = arith.index_cast %add3A_534 : i32 to index
      %swap3A_536 = tpu.vector_load %arg5[%swap3A_535] {strides = array<i32>} : memref<5120xf32, #tpu.memory_space<vmem>>, vector<16xf32>,
      tpu.vector_store %arg5[%swap3A_535], %gather3A_528 {strides = array<i32>} : memref<5120xf32, #tpu.memory_space<vmem>>, vector<16xf32>,
      %add3A_537 = arith.constant 1 : i32
      %add3A_538 = arith.addi %scan3A_81, %add3A_537 : i32
      %lt3A_539 = arith.constant 10 : i32
      %lt3A_540 = arith.cmpi slt, %add3A_538, %lt3A_539 : i32
      %convert_element_type3A = arith.extui %lt3A_540 : i1 to i32
      %cond3A = arith.constant 0 : i32
      %cond3A_541 = arith.cmpi ne, %convert_element_type3A, %cond3A : i32
      scf.if %cond3A_541 {
        %mul3A_916 = arith.constant 2 : i32
        %mul3A_917 = arith.muli %mul3A_916, %scan3A_81 : i32
        %add3A_918 = arith.constant 2 : i32
        %add3A_919 = arith.addi %mul3A_917, %add3A_918 : i32
        %mul3A_920 = arith.constant 20 : i32
        %mul3A_921 = arith.muli %add3A, %mul3A_920 : i32
        %add3A_922 = arith.addi %mul3A_921, %add3A_919 : i32
        %mul3A_923 = arith.constant 2 : i32
        %mul3A_924 = arith.muli %add3A_922, %mul3A_923 : i32
        %add3A_925 = arith.constant 0 : i32
        %add3A_926 = arith.addi %mul3A_924, %add3A_925 : i32
        %mul3A_927 = arith.constant 128 : i32
        %mul3A_928 = arith.muli %add3A_926, %mul3A_927 : i32
        %multiple_of3A_929 = tpu.assume_multiple %mul3A_928, 128 : i32
        %jit3A_930 = arith.constant 4 : i32
        %eq3A_931 = arith.constant 0 : i32
        %eq3A_932 = arith.cmpi eq, %jit3A_930, %eq3A_931 : i32
        %jit3A_933 = arith.constant 1 : i32
        %select_n3A_934 = arith.select %eq3A_932, %jit3A_933, %jit3A_930 : i32
        %rem3A_935 = arith.remsi %add3A_926, %select_n3A_934 : i32
        %ne3A_936 = arith.constant 0 : i32
        %ne3A_937 = arith.cmpi ne, %rem3A_935, %ne3A_936 : i32
        %lt3A_938 = arith.constant 0 : i32
        %lt3A_939 = arith.cmpi slt, %rem3A_935, %lt3A_938 : i32
        %lt3A_940 = arith.constant 0 : i32
        %lt3A_941 = arith.cmpi slt, %select_n3A_934, %lt3A_940 : i32
        %ne3A_942 = arith.xori %lt3A_939, %lt3A_941 : i1
        %and3A_943 = arith.andi %ne3A_942, %ne3A_937 : i1
        %add3A_944 = arith.addi %rem3A_935, %select_n3A_934 : i32
        %select_n3A_945 = arith.select %and3A_943, %add3A_944, %rem3A_935 : i32
        %mul3A_946 = arith.constant 128 : i32
        %mul3A_947 = arith.muli %select_n3A_945, %mul3A_946 : i32
        %multiple_of3A_948 = tpu.assume_multiple %mul3A_947, 128 : i32
        %dma_start3A_949 = arith.constant 0 : i32
        %dma_start3A_950 = arith.constant 0 : i32
        %dma_start3A_951 = arith.constant 0 : i32
        %dma_start3A_952 = arith.constant 0 : i32
        %dma_start3A_953 = tpu.memref_slice %arg4[%dma_start3A_949, %dma_start3A_950, %dma_start3A_951, %dma_start3A_952] : memref<2x2x128x128xf32, #tpu.memory_space<vmem>> -> memref<1x1x128x128xf32, #tpu.memory_space<vmem>>
        %dma_start3A_954 = tpu.memref_squeeze %dma_start3A_953 : memref<1x1x128x128xf32, #tpu.memory_space<vmem>> -> memref<128x128xf32, #tpu.memory_space<vmem>>
        %dma_start3A_955 = tpu.memref_slice %arg2[%multiple_of3A_929, %multiple_of3A_948] : memref<262144x512xf32, #tpu.memory_space<hbm>> -> memref<128x128xf32, #tpu.memory_space<hbm>>
        %dma_start3A_956 = arith.constant 0 : i32
        %dma_start3A_957 = arith.constant 0 : i32
        %dma_start3A_958 = tpu.memref_slice %arg4[%dma_start3A_949, %dma_start3A_950, %dma_start3A_956, %dma_start3A_957] : memref<2x2x128x128xf32, #tpu.memory_space<vmem>> -> memref<1x1x128x128xf32, #tpu.memory_space<vmem>>
        %dma_start3A_959 = tpu.memref_squeeze %dma_start3A_958 : memref<1x1x128x128xf32, #tpu.memory_space<vmem>> -> memref<128x128xf32, #tpu.memory_space<vmem>>
        %dma_start3A_960 = tpu.memref_slice %arg2[%multiple_of3A_929, %multiple_of3A_948] : memref<262144x512xf32, #tpu.memory_space<hbm>> -> memref<128x128xf32, #tpu.memory_space<hbm>>
        tpu.enqueue_dma source(%dma_start3A_960 : memref<128x128xf32, #tpu.memory_space<hbm>>) target(%dma_start3A_959 : memref<128x128xf32, #tpu.memory_space<vmem>>) target_semaphore(%arg6 : memref<!tpu.dma_semaphore, #tpu.memory_space<semaphore_mem>>)
        %mul3A_961 = arith.constant 20 : i32
        %mul3A_962 = arith.muli %add3A, %mul3A_961 : i32
        %add3A_963 = arith.addi %mul3A_962, %add3A_919 : i32
        %mul3A_964 = arith.constant 2 : i32
        %mul3A_965 = arith.muli %add3A_963, %mul3A_964 : i32
        %add3A_966 = arith.constant 1 : i32
        %add3A_967 = arith.addi %mul3A_965, %add3A_966 : i32
        %mul3A_968 = arith.constant 128 : i32
        %mul3A_969 = arith.muli %add3A_967, %mul3A_968 : i32
        %multiple_of3A_970 = tpu.assume_multiple %mul3A_969, 128 : i32
        %jit3A_971 = arith.constant 4 : i32
        %eq3A_972 = arith.constant 0 : i32
        %eq3A_973 = arith.cmpi eq, %jit3A_971, %eq3A_972 : i32
        %jit3A_974 = arith.constant 1 : i32
        %select_n3A_975 = arith.select %eq3A_973, %jit3A_974, %jit3A_971 : i32
        %rem3A_976 = arith.remsi %add3A_967, %select_n3A_975 : i32
        %ne3A_977 = arith.constant 0 : i32
        %ne3A_978 = arith.cmpi ne, %rem3A_976, %ne3A_977 : i32
        %lt3A_979 = arith.constant 0 : i32
        %lt3A_980 = arith.cmpi slt, %rem3A_976, %lt3A_979 : i32
        %lt3A_981 = arith.constant 0 : i32
        %lt3A_982 = arith.cmpi slt, %select_n3A_975, %lt3A_981 : i32
        %ne3A_983 = arith.xori %lt3A_980, %lt3A_982 : i1
        %and3A_984 = arith.andi %ne3A_983, %ne3A_978 : i1
        %add3A_985 = arith.addi %rem3A_976, %select_n3A_975 : i32
        %select_n3A_986 = arith.select %and3A_984, %add3A_985, %rem3A_976 : i32
        %mul3A_987 = arith.constant 128 : i32
        %mul3A_988 = arith.muli %select_n3A_986, %mul3A_987 : i32
        %multiple_of3A_989 = tpu.assume_multiple %mul3A_988, 128 : i32
        %dma_start3A_990 = arith.constant 0 : i32
        %dma_start3A_991 = arith.constant 1 : i32
        %dma_start3A_992 = arith.constant 0 : i32
        %dma_start3A_993 = arith.constant 0 : i32
        %dma_start3A_994 = tpu.memref_slice %arg4[%dma_start3A_990, %dma_start3A_991, %dma_start3A_992, %dma_start3A_993] : memref<2x2x128x128xf32, #tpu.memory_space<vmem>> -> memref<1x1x128x128xf32, #tpu.memory_space<vmem>>
        %dma_start3A_995 = tpu.memref_squeeze %dma_start3A_994 : memref<1x1x128x128xf32, #tpu.memory_space<vmem>> -> memref<128x128xf32, #tpu.memory_space<vmem>>
        %dma_start3A_996 = tpu.memref_slice %arg2[%multiple_of3A_970, %multiple_of3A_989] : memref<262144x512xf32, #tpu.memory_space<hbm>> -> memref<128x128xf32, #tpu.memory_space<hbm>>
        %dma_start3A_997 = arith.constant 0 : i32
        %dma_start3A_998 = arith.constant 0 : i32
        %dma_start3A_999 = tpu.memref_slice %arg4[%dma_start3A_990, %dma_start3A_991, %dma_start3A_997, %dma_start3A_998] : memref<2x2x128x128xf32, #tpu.memory_space<vmem>> -> memref<1x1x128x128xf32, #tpu.memory_space<vmem>>
        %dma_start3A_1000 = tpu.memref_squeeze %dma_start3A_999 : memref<1x1x128x128xf32, #tpu.memory_space<vmem>> -> memref<128x128xf32, #tpu.memory_space<vmem>>
        %dma_start3A_1001 = tpu.memref_slice %arg2[%multiple_of3A_970, %multiple_of3A_989] : memref<262144x512xf32, #tpu.memory_space<hbm>> -> memref<128x128xf32, #tpu.memory_space<hbm>>
        tpu.enqueue_dma source(%dma_start3A_1001 : memref<128x128xf32, #tpu.memory_space<hbm>>) target(%dma_start3A_1000 : memref<128x128xf32, #tpu.memory_space<vmem>>) target_semaphore(%arg6 : memref<!tpu.dma_semaphore, #tpu.memory_space<semaphore_mem>>)
      } else {
      }
      %mul3A_542 = arith.constant 2 : i32
      %mul3A_543 = arith.muli %mul3A_542, %scan3A_81 : i32
      %add3A_544 = arith.constant 1 : i32
      %add3A_545 = arith.addi %mul3A_543, %add3A_544 : i32
      %mul3A_546 = arith.constant 20 : i32
      %mul3A_547 = arith.muli %add3A, %mul3A_546 : i32
      %add3A_548 = arith.addi %mul3A_547, %add3A_545 : i32
      %mul3A_549 = arith.constant 2 : i32
      %mul3A_550 = arith.muli %add3A_548, %mul3A_549 : i32
      %add3A_551 = arith.constant 0 : i32
      %add3A_552 = arith.addi %mul3A_550, %add3A_551 : i32
      %mul3A_553 = arith.constant 128 : i32
      %mul3A_554 = arith.muli %add3A_552, %mul3A_553 : i32
      %multiple_of3A_555 = tpu.assume_multiple %mul3A_554, 128 : i32
      %jit3A_556 = arith.constant 4 : i32
      %eq3A_557 = arith.constant 0 : i32
      %eq3A_558 = arith.cmpi eq, %jit3A_556, %eq3A_557 : i32
      %jit3A_559 = arith.constant 1 : i32
      %select_n3A_560 = arith.select %eq3A_558, %jit3A_559, %jit3A_556 : i32
      %rem3A_561 = arith.remsi %add3A_552, %select_n3A_560 : i32
      %ne3A_562 = arith.constant 0 : i32
      %ne3A_563 = arith.cmpi ne, %rem3A_561, %ne3A_562 : i32
      %lt3A_564 = arith.constant 0 : i32
      %lt3A_565 = arith.cmpi slt, %rem3A_561, %lt3A_564 : i32
      %lt3A_566 = arith.constant 0 : i32
      %lt3A_567 = arith.cmpi slt, %select_n3A_560, %lt3A_566 : i32
      %ne3A_568 = arith.xori %lt3A_565, %lt3A_567 : i1
      %and3A_569 = arith.andi %ne3A_568, %ne3A_563 : i1
      %add3A_570 = arith.addi %rem3A_561, %select_n3A_560 : i32
      %select_n3A_571 = arith.select %and3A_569, %add3A_570, %rem3A_561 : i32
      %mul3A_572 = arith.constant 128 : i32
      %mul3A_573 = arith.muli %select_n3A_571, %mul3A_572 : i32
      %multiple_of3A_574 = tpu.assume_multiple %mul3A_573, 128 : i32
      %dma_wait3A_575 = arith.constant 1 : i32
      %dma_wait3A_576 = arith.constant 0 : i32
      %dma_wait3A_577 = arith.constant 0 : i32
      %dma_wait3A_578 = arith.constant 0 : i32
      %dma_wait3A_579 = tpu.memref_slice %arg4[%dma_wait3A_575, %dma_wait3A_576, %dma_wait3A_577, %dma_wait3A_578] : memref<2x2x128x128xf32, #tpu.memory_space<vmem>> -> memref<1x1x128x128xf32, #tpu.memory_space<vmem>>
      %dma_wait3A_580 = tpu.memref_squeeze %dma_wait3A_579 : memref<1x1x128x128xf32, #tpu.memory_space<vmem>> -> memref<128x128xf32, #tpu.memory_space<vmem>>
      %dma_wait3A_581 = tpu.memref_slice %arg2[%multiple_of3A_555, %multiple_of3A_574] : memref<262144x512xf32, #tpu.memory_space<hbm>> -> memref<128x128xf32, #tpu.memory_space<hbm>>
      %dma_wait3A_582 = arith.constant 0 : i32
      %dma_wait3A_583 = arith.constant 0 : i32
      %dma_wait3A_584 = tpu.memref_slice %arg4[%dma_wait3A_575, %dma_wait3A_576, %dma_wait3A_582, %dma_wait3A_583] : memref<2x2x128x128xf32, #tpu.memory_space<vmem>> -> memref<1x1x128x128xf32, #tpu.memory_space<vmem>>
      %dma_wait3A_585 = tpu.memref_squeeze %dma_wait3A_584 : memref<1x1x128x128xf32, #tpu.memory_space<vmem>> -> memref<128x128xf32, #tpu.memory_space<vmem>>
      %dma_wait3A_586 = tpu.memref_slice %arg2[%multiple_of3A_555, %multiple_of3A_574] : memref<262144x512xf32, #tpu.memory_space<hbm>> -> memref<128x128xf32, #tpu.memory_space<hbm>>
      tpu.wait_dma2 semaphore(%arg7 : memref<!tpu.dma_semaphore, #tpu.memory_space<semaphore_mem>>) src(%dma_wait3A_586 : memref<128x128xf32, #tpu.memory_space<hbm>>) dst(%dma_wait3A_585 : memref<128x128xf32, #tpu.memory_space<vmem>>)
      %mul3A_587 = arith.constant 20 : i32
      %mul3A_588 = arith.muli %add3A, %mul3A_587 : i32
      %add3A_589 = arith.addi %mul3A_588, %add3A_545 : i32
      %mul3A_590 = arith.constant 2 : i32
      %mul3A_591 = arith.muli %add3A_589, %mul3A_590 : i32
      %add3A_592 = arith.constant 1 : i32
      %add3A_593 = arith.addi %mul3A_591, %add3A_592 : i32
      %mul3A_594 = arith.constant 128 : i32
      %mul3A_595 = arith.muli %add3A_593, %mul3A_594 : i32
      %multiple_of3A_596 = tpu.assume_multiple %mul3A_595, 128 : i32
      %jit3A_597 = arith.constant 4 : i32
      %eq3A_598 = arith.constant 0 : i32
      %eq3A_599 = arith.cmpi eq, %jit3A_597, %eq3A_598 : i32
      %jit3A_600 = arith.constant 1 : i32
      %select_n3A_601 = arith.select %eq3A_599, %jit3A_600, %jit3A_597 : i32
      %rem3A_602 = arith.remsi %add3A_593, %select_n3A_601 : i32
      %ne3A_603 = arith.constant 0 : i32
      %ne3A_604 = arith.cmpi ne, %rem3A_602, %ne3A_603 : i32
      %lt3A_605 = arith.constant 0 : i32
      %lt3A_606 = arith.cmpi slt, %rem3A_602, %lt3A_605 : i32
      %lt3A_607 = arith.constant 0 : i32
      %lt3A_608 = arith.cmpi slt, %select_n3A_601, %lt3A_607 : i32
      %ne3A_609 = arith.xori %lt3A_606, %lt3A_608 : i1
      %and3A_610 = arith.andi %ne3A_609, %ne3A_604 : i1
      %add3A_611 = arith.addi %rem3A_602, %select_n3A_601 : i32
      %select_n3A_612 = arith.select %and3A_610, %add3A_611, %rem3A_602 : i32
      %mul3A_613 = arith.constant 128 : i32
      %mul3A_614 = arith.muli %select_n3A_612, %mul3A_613 : i32
      %multiple_of3A_615 = tpu.assume_multiple %mul3A_614, 128 : i32
      %dma_wait3A_616 = arith.constant 1 : i32
      %dma_wait3A_617 = arith.constant 1 : i32
      %dma_wait3A_618 = arith.constant 0 : i32
      %dma_wait3A_619 = arith.constant 0 : i32
      %dma_wait3A_620 = tpu.memref_slice %arg4[%dma_wait3A_616, %dma_wait3A_617, %dma_wait3A_618, %dma_wait3A_619] : memref<2x2x128x128xf32, #tpu.memory_space<vmem>> -> memref<1x1x128x128xf32, #tpu.memory_space<vmem>>
      %dma_wait3A_621 = tpu.memref_squeeze %dma_wait3A_620 : memref<1x1x128x128xf32, #tpu.memory_space<vmem>> -> memref<128x128xf32, #tpu.memory_space<vmem>>
      %dma_wait3A_622 = tpu.memref_slice %arg2[%multiple_of3A_596, %multiple_of3A_615] : memref<262144x512xf32, #tpu.memory_space<hbm>> -> memref<128x128xf32, #tpu.memory_space<hbm>>
      %dma_wait3A_623 = arith.constant 0 : i32
      %dma_wait3A_624 = arith.constant 0 : i32
      %dma_wait3A_625 = tpu.memref_slice %arg4[%dma_wait3A_616, %dma_wait3A_617, %dma_wait3A_623, %dma_wait3A_624] : memref<2x2x128x128xf32, #tpu.memory_space<vmem>> -> memref<1x1x128x128xf32, #tpu.memory_space<vmem>>
      %dma_wait3A_626 = tpu.memref_squeeze %dma_wait3A_625 : memref<1x1x128x128xf32, #tpu.memory_space<vmem>> -> memref<128x128xf32, #tpu.memory_space<vmem>>
      %dma_wait3A_627 = tpu.memref_slice %arg2[%multiple_of3A_596, %multiple_of3A_615] : memref<262144x512xf32, #tpu.memory_space<hbm>> -> memref<128x128xf32, #tpu.memory_space<hbm>>
      tpu.wait_dma2 semaphore(%arg7 : memref<!tpu.dma_semaphore, #tpu.memory_space<semaphore_mem>>) src(%dma_wait3A_627 : memref<128x128xf32, #tpu.memory_space<hbm>>) dst(%dma_wait3A_626 : memref<128x128xf32, #tpu.memory_space<vmem>>)
      %add3A_628 = arith.constant 0 : i32
      %add3A_629 = vector.broadcast %add3A_628 : i32 to vector<16xi32>
      %add3A_630 = arith.addi %add3A_629, %iota3A : vector<16xi32>
      %gather3A_631 = arith.constant 1 : i32
      %gather3A_632 = arith.constant 0 : i32
      %gather3A_633 = arith.constant 0 : i32
      %gather3A_634 = arith.constant 0 : i32
      %gather3A_635 = tpu.memref_slice %arg4[%gather3A_631, %gather3A_632, %gather3A_633, %gather3A_634] : memref<2x2x128x128xf32, #tpu.memory_space<vmem>> -> memref<1x1x128x128xf32, #tpu.memory_space<vmem>>
      %gather3A_636 = tpu.memref_squeeze %gather3A_635 : memref<1x1x128x128xf32, #tpu.memory_space<vmem>> -> memref<128x128xf32, #tpu.memory_space<vmem>>
      %gather3A_637 = tpu.vector_load_idx %gather3A_636[%add3A_630, %add3A_630] : memref<128x128xf32, #tpu.memory_space<vmem>>[vector<16xi32>, vector<16xi32>], vector<16xf32>,
      %mul3A_638 = arith.constant 512 : i32
      %mul3A_639 = arith.muli %scan3A_81, %mul3A_638 : i32
      %add3A_640 = arith.constant 256 : i32
      %add3A_641 = arith.addi %mul3A_639, %add3A_640 : i32
      %add3A_642 = arith.constant 0 : i32
      %add3A_643 = arith.addi %add3A_641, %add3A_642 : i32
      %swap3A_644 = arith.index_cast %add3A_643 : i32 to index
      %swap3A_645 = tpu.vector_load %arg5[%swap3A_644] {strides = array<i32>} : memref<5120xf32, #tpu.memory_space<vmem>>, vector<16xf32>,
      tpu.vector_store %arg5[%swap3A_644], %gather3A_637 {strides = array<i32>} : memref<5120xf32, #tpu.memory_space<vmem>>, vector<16xf32>,
      %add3A_646 = arith.constant 16 : i32
      %add3A_647 = vector.broadcast %add3A_646 : i32 to vector<16xi32>
      %add3A_648 = arith.addi %add3A_647, %iota3A : vector<16xi32>
      %gather3A_649 = arith.constant 1 : i32
      %gather3A_650 = arith.constant 0 : i32
      %gather3A_651 = arith.constant 0 : i32
      %gather3A_652 = arith.constant 0 : i32
      %gather3A_653 = tpu.memref_slice %arg4[%gather3A_649, %gather3A_650, %gather3A_651, %gather3A_652] : memref<2x2x128x128xf32, #tpu.memory_space<vmem>> -> memref<1x1x128x128xf32, #tpu.memory_space<vmem>>
      %gather3A_654 = tpu.memref_squeeze %gather3A_653 : memref<1x1x128x128xf32, #tpu.memory_space<vmem>> -> memref<128x128xf32, #tpu.memory_space<vmem>>
      %gather3A_655 = tpu.vector_load_idx %gather3A_654[%add3A_648, %add3A_648] : memref<128x128xf32, #tpu.memory_space<vmem>>[vector<16xi32>, vector<16xi32>], vector<16xf32>,
      %mul3A_656 = arith.constant 512 : i32
      %mul3A_657 = arith.muli %scan3A_81, %mul3A_656 : i32
      %add3A_658 = arith.constant 256 : i32
      %add3A_659 = arith.addi %mul3A_657, %add3A_658 : i32
      %add3A_660 = arith.constant 16 : i32
      %add3A_661 = arith.addi %add3A_659, %add3A_660 : i32
      %swap3A_662 = arith.index_cast %add3A_661 : i32 to index
      %swap3A_663 = tpu.vector_load %arg5[%swap3A_662] {strides = array<i32>} : memref<5120xf32, #tpu.memory_space<vmem>>, vector<16xf32>,
      tpu.vector_store %arg5[%swap3A_662], %gather3A_655 {strides = array<i32>} : memref<5120xf32, #tpu.memory_space<vmem>>, vector<16xf32>,
      %add3A_664 = arith.constant 32 : i32
      %add3A_665 = vector.broadcast %add3A_664 : i32 to vector<16xi32>
      %add3A_666 = arith.addi %add3A_665, %iota3A : vector<16xi32>
      %gather3A_667 = arith.constant 1 : i32
      %gather3A_668 = arith.constant 0 : i32
      %gather3A_669 = arith.constant 0 : i32
      %gather3A_670 = arith.constant 0 : i32
      %gather3A_671 = tpu.memref_slice %arg4[%gather3A_667, %gather3A_668, %gather3A_669, %gather3A_670] : memref<2x2x128x128xf32, #tpu.memory_space<vmem>> -> memref<1x1x128x128xf32, #tpu.memory_space<vmem>>
      %gather3A_672 = tpu.memref_squeeze %gather3A_671 : memref<1x1x128x128xf32, #tpu.memory_space<vmem>> -> memref<128x128xf32, #tpu.memory_space<vmem>>
      %gather3A_673 = tpu.vector_load_idx %gather3A_672[%add3A_666, %add3A_666] : memref<128x128xf32, #tpu.memory_space<vmem>>[vector<16xi32>, vector<16xi32>], vector<16xf32>,
      %mul3A_674 = arith.constant 512 : i32
      %mul3A_675 = arith.muli %scan3A_81, %mul3A_674 : i32
      %add3A_676 = arith.constant 256 : i32
      %add3A_677 = arith.addi %mul3A_675, %add3A_676 : i32
      %add3A_678 = arith.constant 32 : i32
      %add3A_679 = arith.addi %add3A_677, %add3A_678 : i32
      %swap3A_680 = arith.index_cast %add3A_679 : i32 to index
      %swap3A_681 = tpu.vector_load %arg5[%swap3A_680] {strides = array<i32>} : memref<5120xf32, #tpu.memory_space<vmem>>, vector<16xf32>,
      tpu.vector_store %arg5[%swap3A_680], %gather3A_673 {strides = array<i32>} : memref<5120xf32, #tpu.memory_space<vmem>>, vector<16xf32>,
      %add3A_682 = arith.constant 48 : i32
      %add3A_683 = vector.broadcast %add3A_682 : i32 to vector<16xi32>
      %add3A_684 = arith.addi %add3A_683, %iota3A : vector<16xi32>
      %gather3A_685 = arith.constant 1 : i32
      %gather3A_686 = arith.constant 0 : i32
      %gather3A_687 = arith.constant 0 : i32
      %gather3A_688 = arith.constant 0 : i32
      %gather3A_689 = tpu.memref_slice %arg4[%gather3A_685, %gather3A_686, %gather3A_687, %gather3A_688] : memref<2x2x128x128xf32, #tpu.memory_space<vmem>> -> memref<1x1x128x128xf32, #tpu.memory_space<vmem>>
      %gather3A_690 = tpu.memref_squeeze %gather3A_689 : memref<1x1x128x128xf32, #tpu.memory_space<vmem>> -> memref<128x128xf32, #tpu.memory_space<vmem>>
      %gather3A_691 = tpu.vector_load_idx %gather3A_690[%add3A_684, %add3A_684] : memref<128x128xf32, #tpu.memory_space<vmem>>[vector<16xi32>, vector<16xi32>], vector<16xf32>,
      %mul3A_692 = arith.constant 512 : i32
      %mul3A_693 = arith.muli %scan3A_81, %mul3A_692 : i32
      %add3A_694 = arith.constant 256 : i32
      %add3A_695 = arith.addi %mul3A_693, %add3A_694 : i32
      %add3A_696 = arith.constant 48 : i32
      %add3A_697 = arith.addi %add3A_695, %add3A_696 : i32
      %swap3A_698 = arith.index_cast %add3A_697 : i32 to index
      %swap3A_699 = tpu.vector_load %arg5[%swap3A_698] {strides = array<i32>} : memref<5120xf32, #tpu.memory_space<vmem>>, vector<16xf32>,
      tpu.vector_store %arg5[%swap3A_698], %gather3A_691 {strides = array<i32>} : memref<5120xf32, #tpu.memory_space<vmem>>, vector<16xf32>,
      %add3A_700 = arith.constant 64 : i32
      %add3A_701 = vector.broadcast %add3A_700 : i32 to vector<16xi32>
      %add3A_702 = arith.addi %add3A_701, %iota3A : vector<16xi32>
      %gather3A_703 = arith.constant 1 : i32
      %gather3A_704 = arith.constant 0 : i32
      %gather3A_705 = arith.constant 0 : i32
      %gather3A_706 = arith.constant 0 : i32
      %gather3A_707 = tpu.memref_slice %arg4[%gather3A_703, %gather3A_704, %gather3A_705, %gather3A_706] : memref<2x2x128x128xf32, #tpu.memory_space<vmem>> -> memref<1x1x128x128xf32, #tpu.memory_space<vmem>>
      %gather3A_708 = tpu.memref_squeeze %gather3A_707 : memref<1x1x128x128xf32, #tpu.memory_space<vmem>> -> memref<128x128xf32, #tpu.memory_space<vmem>>
      %gather3A_709 = tpu.vector_load_idx %gather3A_708[%add3A_702, %add3A_702] : memref<128x128xf32, #tpu.memory_space<vmem>>[vector<16xi32>, vector<16xi32>], vector<16xf32>,
      %mul3A_710 = arith.constant 512 : i32
      %mul3A_711 = arith.muli %scan3A_81, %mul3A_710 : i32
      %add3A_712 = arith.constant 256 : i32
      %add3A_713 = arith.addi %mul3A_711, %add3A_712 : i32
      %add3A_714 = arith.constant 64 : i32
      %add3A_715 = arith.addi %add3A_713, %add3A_714 : i32
      %swap3A_716 = arith.index_cast %add3A_715 : i32 to index
      %swap3A_717 = tpu.vector_load %arg5[%swap3A_716] {strides = array<i32>} : memref<5120xf32, #tpu.memory_space<vmem>>, vector<16xf32>,
      tpu.vector_store %arg5[%swap3A_716], %gather3A_709 {strides = array<i32>} : memref<5120xf32, #tpu.memory_space<vmem>>, vector<16xf32>,
      %add3A_718 = arith.constant 80 : i32
      %add3A_719 = vector.broadcast %add3A_718 : i32 to vector<16xi32>
      %add3A_720 = arith.addi %add3A_719, %iota3A : vector<16xi32>
      %gather3A_721 = arith.constant 1 : i32
      %gather3A_722 = arith.constant 0 : i32
      %gather3A_723 = arith.constant 0 : i32
      %gather3A_724 = arith.constant 0 : i32
      %gather3A_725 = tpu.memref_slice %arg4[%gather3A_721, %gather3A_722, %gather3A_723, %gather3A_724] : memref<2x2x128x128xf32, #tpu.memory_space<vmem>> -> memref<1x1x128x128xf32, #tpu.memory_space<vmem>>
      %gather3A_726 = tpu.memref_squeeze %gather3A_725 : memref<1x1x128x128xf32, #tpu.memory_space<vmem>> -> memref<128x128xf32, #tpu.memory_space<vmem>>
      %gather3A_727 = tpu.vector_load_idx %gather3A_726[%add3A_720, %add3A_720] : memref<128x128xf32, #tpu.memory_space<vmem>>[vector<16xi32>, vector<16xi32>], vector<16xf32>,
      %mul3A_728 = arith.constant 512 : i32
      %mul3A_729 = arith.muli %scan3A_81, %mul3A_728 : i32
      %add3A_730 = arith.constant 256 : i32
      %add3A_731 = arith.addi %mul3A_729, %add3A_730 : i32
      %add3A_732 = arith.constant 80 : i32
      %add3A_733 = arith.addi %add3A_731, %add3A_732 : i32
      %swap3A_734 = arith.index_cast %add3A_733 : i32 to index
      %swap3A_735 = tpu.vector_load %arg5[%swap3A_734] {strides = array<i32>} : memref<5120xf32, #tpu.memory_space<vmem>>, vector<16xf32>,
      tpu.vector_store %arg5[%swap3A_734], %gather3A_727 {strides = array<i32>} : memref<5120xf32, #tpu.memory_space<vmem>>, vector<16xf32>,
      %add3A_736 = arith.constant 96 : i32
      %add3A_737 = vector.broadcast %add3A_736 : i32 to vector<16xi32>
      %add3A_738 = arith.addi %add3A_737, %iota3A : vector<16xi32>
      %gather3A_739 = arith.constant 1 : i32
      %gather3A_740 = arith.constant 0 : i32
      %gather3A_741 = arith.constant 0 : i32
      %gather3A_742 = arith.constant 0 : i32
      %gather3A_743 = tpu.memref_slice %arg4[%gather3A_739, %gather3A_740, %gather3A_741, %gather3A_742] : memref<2x2x128x128xf32, #tpu.memory_space<vmem>> -> memref<1x1x128x128xf32, #tpu.memory_space<vmem>>
      %gather3A_744 = tpu.memref_squeeze %gather3A_743 : memref<1x1x128x128xf32, #tpu.memory_space<vmem>> -> memref<128x128xf32, #tpu.memory_space<vmem>>
      %gather3A_745 = tpu.vector_load_idx %gather3A_744[%add3A_738, %add3A_738] : memref<128x128xf32, #tpu.memory_space<vmem>>[vector<16xi32>, vector<16xi32>], vector<16xf32>,
      %mul3A_746 = arith.constant 512 : i32
      %mul3A_747 = arith.muli %scan3A_81, %mul3A_746 : i32
      %add3A_748 = arith.constant 256 : i32
      %add3A_749 = arith.addi %mul3A_747, %add3A_748 : i32
      %add3A_750 = arith.constant 96 : i32
      %add3A_751 = arith.addi %add3A_749, %add3A_750 : i32
      %swap3A_752 = arith.index_cast %add3A_751 : i32 to index
      %swap3A_753 = tpu.vector_load %arg5[%swap3A_752] {strides = array<i32>} : memref<5120xf32, #tpu.memory_space<vmem>>, vector<16xf32>,
      tpu.vector_store %arg5[%swap3A_752], %gather3A_745 {strides = array<i32>} : memref<5120xf32, #tpu.memory_space<vmem>>, vector<16xf32>,
      %add3A_754 = arith.constant 112 : i32
      %add3A_755 = vector.broadcast %add3A_754 : i32 to vector<16xi32>
      %add3A_756 = arith.addi %add3A_755, %iota3A : vector<16xi32>
      %gather3A_757 = arith.constant 1 : i32
      %gather3A_758 = arith.constant 0 : i32
      %gather3A_759 = arith.constant 0 : i32
      %gather3A_760 = arith.constant 0 : i32
      %gather3A_761 = tpu.memref_slice %arg4[%gather3A_757, %gather3A_758, %gather3A_759, %gather3A_760] : memref<2x2x128x128xf32, #tpu.memory_space<vmem>> -> memref<1x1x128x128xf32, #tpu.memory_space<vmem>>
      %gather3A_762 = tpu.memref_squeeze %gather3A_761 : memref<1x1x128x128xf32, #tpu.memory_space<vmem>> -> memref<128x128xf32, #tpu.memory_space<vmem>>
      %gather3A_763 = tpu.vector_load_idx %gather3A_762[%add3A_756, %add3A_756] : memref<128x128xf32, #tpu.memory_space<vmem>>[vector<16xi32>, vector<16xi32>], vector<16xf32>,
      %mul3A_764 = arith.constant 512 : i32
      %mul3A_765 = arith.muli %scan3A_81, %mul3A_764 : i32
      %add3A_766 = arith.constant 256 : i32
      %add3A_767 = arith.addi %mul3A_765, %add3A_766 : i32
      %add3A_768 = arith.constant 112 : i32
      %add3A_769 = arith.addi %add3A_767, %add3A_768 : i32
      %swap3A_770 = arith.index_cast %add3A_769 : i32 to index
      %swap3A_771 = tpu.vector_load %arg5[%swap3A_770] {strides = array<i32>} : memref<5120xf32, #tpu.memory_space<vmem>>, vector<16xf32>,
      tpu.vector_store %arg5[%swap3A_770], %gather3A_763 {strides = array<i32>} : memref<5120xf32, #tpu.memory_space<vmem>>, vector<16xf32>,
      %add3A_772 = arith.constant 0 : i32
      %add3A_773 = vector.broadcast %add3A_772 : i32 to vector<16xi32>
      %add3A_774 = arith.addi %add3A_773, %iota3A : vector<16xi32>
      %gather3A_775 = arith.constant 1 : i32
      %gather3A_776 = arith.constant 1 : i32
      %gather3A_777 = arith.constant 0 : i32
      %gather3A_778 = arith.constant 0 : i32
      %gather3A_779 = tpu.memref_slice %arg4[%gather3A_775, %gather3A_776, %gather3A_777, %gather3A_778] : memref<2x2x128x128xf32, #tpu.memory_space<vmem>> -> memref<1x1x128x128xf32, #tpu.memory_space<vmem>>
      %gather3A_780 = tpu.memref_squeeze %gather3A_779 : memref<1x1x128x128xf32, #tpu.memory_space<vmem>> -> memref<128x128xf32, #tpu.memory_space<vmem>>
      %gather3A_781 = tpu.vector_load_idx %gather3A_780[%add3A_774, %add3A_774] : memref<128x128xf32, #tpu.memory_space<vmem>>[vector<16xi32>, vector<16xi32>], vector<16xf32>,
      %mul3A_782 = arith.constant 512 : i32
      %mul3A_783 = arith.muli %scan3A_81, %mul3A_782 : i32
      %add3A_784 = arith.constant 384 : i32
      %add3A_785 = arith.addi %mul3A_783, %add3A_784 : i32
      %add3A_786 = arith.constant 0 : i32
      %add3A_787 = arith.addi %add3A_785, %add3A_786 : i32
      %swap3A_788 = arith.index_cast %add3A_787 : i32 to index
      %swap3A_789 = tpu.vector_load %arg5[%swap3A_788] {strides = array<i32>} : memref<5120xf32, #tpu.memory_space<vmem>>, vector<16xf32>,
      tpu.vector_store %arg5[%swap3A_788], %gather3A_781 {strides = array<i32>} : memref<5120xf32, #tpu.memory_space<vmem>>, vector<16xf32>,
      %add3A_790 = arith.constant 16 : i32
      %add3A_791 = vector.broadcast %add3A_790 : i32 to vector<16xi32>
      %add3A_792 = arith.addi %add3A_791, %iota3A : vector<16xi32>
      %gather3A_793 = arith.constant 1 : i32
      %gather3A_794 = arith.constant 1 : i32
      %gather3A_795 = arith.constant 0 : i32
      %gather3A_796 = arith.constant 0 : i32
      %gather3A_797 = tpu.memref_slice %arg4[%gather3A_793, %gather3A_794, %gather3A_795, %gather3A_796] : memref<2x2x128x128xf32, #tpu.memory_space<vmem>> -> memref<1x1x128x128xf32, #tpu.memory_space<vmem>>
      %gather3A_798 = tpu.memref_squeeze %gather3A_797 : memref<1x1x128x128xf32, #tpu.memory_space<vmem>> -> memref<128x128xf32, #tpu.memory_space<vmem>>
      %gather3A_799 = tpu.vector_load_idx %gather3A_798[%add3A_792, %add3A_792] : memref<128x128xf32, #tpu.memory_space<vmem>>[vector<16xi32>, vector<16xi32>], vector<16xf32>,
      %mul3A_800 = arith.constant 512 : i32
      %mul3A_801 = arith.muli %scan3A_81, %mul3A_800 : i32
      %add3A_802 = arith.constant 384 : i32
      %add3A_803 = arith.addi %mul3A_801, %add3A_802 : i32
      %add3A_804 = arith.constant 16 : i32
      %add3A_805 = arith.addi %add3A_803, %add3A_804 : i32
      %swap3A_806 = arith.index_cast %add3A_805 : i32 to index
      %swap3A_807 = tpu.vector_load %arg5[%swap3A_806] {strides = array<i32>} : memref<5120xf32, #tpu.memory_space<vmem>>, vector<16xf32>,
      tpu.vector_store %arg5[%swap3A_806], %gather3A_799 {strides = array<i32>} : memref<5120xf32, #tpu.memory_space<vmem>>, vector<16xf32>,
      %add3A_808 = arith.constant 32 : i32
      %add3A_809 = vector.broadcast %add3A_808 : i32 to vector<16xi32>
      %add3A_810 = arith.addi %add3A_809, %iota3A : vector<16xi32>
      %gather3A_811 = arith.constant 1 : i32
      %gather3A_812 = arith.constant 1 : i32
      %gather3A_813 = arith.constant 0 : i32
      %gather3A_814 = arith.constant 0 : i32
      %gather3A_815 = tpu.memref_slice %arg4[%gather3A_811, %gather3A_812, %gather3A_813, %gather3A_814] : memref<2x2x128x128xf32, #tpu.memory_space<vmem>> -> memref<1x1x128x128xf32, #tpu.memory_space<vmem>>
      %gather3A_816 = tpu.memref_squeeze %gather3A_815 : memref<1x1x128x128xf32, #tpu.memory_space<vmem>> -> memref<128x128xf32, #tpu.memory_space<vmem>>
      %gather3A_817 = tpu.vector_load_idx %gather3A_816[%add3A_810, %add3A_810] : memref<128x128xf32, #tpu.memory_space<vmem>>[vector<16xi32>, vector<16xi32>], vector<16xf32>,
      %mul3A_818 = arith.constant 512 : i32
      %mul3A_819 = arith.muli %scan3A_81, %mul3A_818 : i32
      %add3A_820 = arith.constant 384 : i32
      %add3A_821 = arith.addi %mul3A_819, %add3A_820 : i32
      %add3A_822 = arith.constant 32 : i32
      %add3A_823 = arith.addi %add3A_821, %add3A_822 : i32
      %swap3A_824 = arith.index_cast %add3A_823 : i32 to index
      %swap3A_825 = tpu.vector_load %arg5[%swap3A_824] {strides = array<i32>} : memref<5120xf32, #tpu.memory_space<vmem>>, vector<16xf32>,
      tpu.vector_store %arg5[%swap3A_824], %gather3A_817 {strides = array<i32>} : memref<5120xf32, #tpu.memory_space<vmem>>, vector<16xf32>,
      %add3A_826 = arith.constant 48 : i32
      %add3A_827 = vector.broadcast %add3A_826 : i32 to vector<16xi32>
      %add3A_828 = arith.addi %add3A_827, %iota3A : vector<16xi32>
      %gather3A_829 = arith.constant 1 : i32
      %gather3A_830 = arith.constant 1 : i32
      %gather3A_831 = arith.constant 0 : i32
      %gather3A_832 = arith.constant 0 : i32
      %gather3A_833 = tpu.memref_slice %arg4[%gather3A_829, %gather3A_830, %gather3A_831, %gather3A_832] : memref<2x2x128x128xf32, #tpu.memory_space<vmem>> -> memref<1x1x128x128xf32, #tpu.memory_space<vmem>>
      %gather3A_834 = tpu.memref_squeeze %gather3A_833 : memref<1x1x128x128xf32, #tpu.memory_space<vmem>> -> memref<128x128xf32, #tpu.memory_space<vmem>>
      %gather3A_835 = tpu.vector_load_idx %gather3A_834[%add3A_828, %add3A_828] : memref<128x128xf32, #tpu.memory_space<vmem>>[vector<16xi32>, vector<16xi32>], vector<16xf32>,
      %mul3A_836 = arith.constant 512 : i32
      %mul3A_837 = arith.muli %scan3A_81, %mul3A_836 : i32
      %add3A_838 = arith.constant 384 : i32
      %add3A_839 = arith.addi %mul3A_837, %add3A_838 : i32
      %add3A_840 = arith.constant 48 : i32
      %add3A_841 = arith.addi %add3A_839, %add3A_840 : i32
      %swap3A_842 = arith.index_cast %add3A_841 : i32 to index
      %swap3A_843 = tpu.vector_load %arg5[%swap3A_842] {strides = array<i32>} : memref<5120xf32, #tpu.memory_space<vmem>>, vector<16xf32>,
      tpu.vector_store %arg5[%swap3A_842], %gather3A_835 {strides = array<i32>} : memref<5120xf32, #tpu.memory_space<vmem>>, vector<16xf32>,
      %add3A_844 = arith.constant 64 : i32
      %add3A_845 = vector.broadcast %add3A_844 : i32 to vector<16xi32>
      %add3A_846 = arith.addi %add3A_845, %iota3A : vector<16xi32>
      %gather3A_847 = arith.constant 1 : i32
      %gather3A_848 = arith.constant 1 : i32
      %gather3A_849 = arith.constant 0 : i32
      %gather3A_850 = arith.constant 0 : i32
      %gather3A_851 = tpu.memref_slice %arg4[%gather3A_847, %gather3A_848, %gather3A_849, %gather3A_850] : memref<2x2x128x128xf32, #tpu.memory_space<vmem>> -> memref<1x1x128x128xf32, #tpu.memory_space<vmem>>
      %gather3A_852 = tpu.memref_squeeze %gather3A_851 : memref<1x1x128x128xf32, #tpu.memory_space<vmem>> -> memref<128x128xf32, #tpu.memory_space<vmem>>
      %gather3A_853 = tpu.vector_load_idx %gather3A_852[%add3A_846, %add3A_846] : memref<128x128xf32, #tpu.memory_space<vmem>>[vector<16xi32>, vector<16xi32>], vector<16xf32>,
      %mul3A_854 = arith.constant 512 : i32
      %mul3A_855 = arith.muli %scan3A_81, %mul3A_854 : i32
      %add3A_856 = arith.constant 384 : i32
      %add3A_857 = arith.addi %mul3A_855, %add3A_856 : i32
      %add3A_858 = arith.constant 64 : i32
      %add3A_859 = arith.addi %add3A_857, %add3A_858 : i32
      %swap3A_860 = arith.index_cast %add3A_859 : i32 to index
      %swap3A_861 = tpu.vector_load %arg5[%swap3A_860] {strides = array<i32>} : memref<5120xf32, #tpu.memory_space<vmem>>, vector<16xf32>,
      tpu.vector_store %arg5[%swap3A_860], %gather3A_853 {strides = array<i32>} : memref<5120xf32, #tpu.memory_space<vmem>>, vector<16xf32>,
      %add3A_862 = arith.constant 80 : i32
      %add3A_863 = vector.broadcast %add3A_862 : i32 to vector<16xi32>
      %add3A_864 = arith.addi %add3A_863, %iota3A : vector<16xi32>
      %gather3A_865 = arith.constant 1 : i32
      %gather3A_866 = arith.constant 1 : i32
      %gather3A_867 = arith.constant 0 : i32
      %gather3A_868 = arith.constant 0 : i32
      %gather3A_869 = tpu.memref_slice %arg4[%gather3A_865, %gather3A_866, %gather3A_867, %gather3A_868] : memref<2x2x128x128xf32, #tpu.memory_space<vmem>> -> memref<1x1x128x128xf32, #tpu.memory_space<vmem>>
      %gather3A_870 = tpu.memref_squeeze %gather3A_869 : memref<1x1x128x128xf32, #tpu.memory_space<vmem>> -> memref<128x128xf32, #tpu.memory_space<vmem>>
      %gather3A_871 = tpu.vector_load_idx %gather3A_870[%add3A_864, %add3A_864] : memref<128x128xf32, #tpu.memory_space<vmem>>[vector<16xi32>, vector<16xi32>], vector<16xf32>,
      %mul3A_872 = arith.constant 512 : i32
      %mul3A_873 = arith.muli %scan3A_81, %mul3A_872 : i32
      %add3A_874 = arith.constant 384 : i32
      %add3A_875 = arith.addi %mul3A_873, %add3A_874 : i32
      %add3A_876 = arith.constant 80 : i32
      %add3A_877 = arith.addi %add3A_875, %add3A_876 : i32
      %swap3A_878 = arith.index_cast %add3A_877 : i32 to index
      %swap3A_879 = tpu.vector_load %arg5[%swap3A_878] {strides = array<i32>} : memref<5120xf32, #tpu.memory_space<vmem>>, vector<16xf32>,
      tpu.vector_store %arg5[%swap3A_878], %gather3A_871 {strides = array<i32>} : memref<5120xf32, #tpu.memory_space<vmem>>, vector<16xf32>,
      %add3A_880 = arith.constant 96 : i32
      %add3A_881 = vector.broadcast %add3A_880 : i32 to vector<16xi32>
      %add3A_882 = arith.addi %add3A_881, %iota3A : vector<16xi32>
      %gather3A_883 = arith.constant 1 : i32
      %gather3A_884 = arith.constant 1 : i32
      %gather3A_885 = arith.constant 0 : i32
      %gather3A_886 = arith.constant 0 : i32
      %gather3A_887 = tpu.memref_slice %arg4[%gather3A_883, %gather3A_884, %gather3A_885, %gather3A_886] : memref<2x2x128x128xf32, #tpu.memory_space<vmem>> -> memref<1x1x128x128xf32, #tpu.memory_space<vmem>>
      %gather3A_888 = tpu.memref_squeeze %gather3A_887 : memref<1x1x128x128xf32, #tpu.memory_space<vmem>> -> memref<128x128xf32, #tpu.memory_space<vmem>>
      %gather3A_889 = tpu.vector_load_idx %gather3A_888[%add3A_882, %add3A_882] : memref<128x128xf32, #tpu.memory_space<vmem>>[vector<16xi32>, vector<16xi32>], vector<16xf32>,
      %mul3A_890 = arith.constant 512 : i32
      %mul3A_891 = arith.muli %scan3A_81, %mul3A_890 : i32
      %add3A_892 = arith.constant 384 : i32
      %add3A_893 = arith.addi %mul3A_891, %add3A_892 : i32
      %add3A_894 = arith.constant 96 : i32
      %add3A_895 = arith.addi %add3A_893, %add3A_894 : i32
      %swap3A_896 = arith.index_cast %add3A_895 : i32 to index
      %swap3A_897 = tpu.vector_load %arg5[%swap3A_896] {strides = array<i32>} : memref<5120xf32, #tpu.memory_space<vmem>>, vector<16xf32>,
      tpu.vector_store %arg5[%swap3A_896], %gather3A_889 {strides = array<i32>} : memref<5120xf32, #tpu.memory_space<vmem>>, vector<16xf32>,
      %add3A_898 = arith.constant 112 : i32
      %add3A_899 = vector.broadcast %add3A_898 : i32 to vector<16xi32>
      %add3A_900 = arith.addi %add3A_899, %iota3A : vector<16xi32>
      %gather3A_901 = arith.constant 1 : i32
      %gather3A_902 = arith.constant 1 : i32
      %gather3A_903 = arith.constant 0 : i32
      %gather3A_904 = arith.constant 0 : i32
      %gather3A_905 = tpu.memref_slice %arg4[%gather3A_901, %gather3A_902, %gather3A_903, %gather3A_904] : memref<2x2x128x128xf32, #tpu.memory_space<vmem>> -> memref<1x1x128x128xf32, #tpu.memory_space<vmem>>
      %gather3A_906 = tpu.memref_squeeze %gather3A_905 : memref<1x1x128x128xf32, #tpu.memory_space<vmem>> -> memref<128x128xf32, #tpu.memory_space<vmem>>
      %gather3A_907 = tpu.vector_load_idx %gather3A_906[%add3A_900, %add3A_900] : memref<128x128xf32, #tpu.memory_space<vmem>>[vector<16xi32>, vector<16xi32>], vector<16xf32>,
      %mul3A_908 = arith.constant 512 : i32
      %mul3A_909 = arith.muli %scan3A_81, %mul3A_908 : i32
      %add3A_910 = arith.constant 384 : i32
      %add3A_911 = arith.addi %mul3A_909, %add3A_910 : i32
      %add3A_912 = arith.constant 112 : i32
      %add3A_913 = arith.addi %add3A_911, %add3A_912 : i32
      %swap3A_914 = arith.index_cast %add3A_913 : i32 to index
      %swap3A_915 = tpu.vector_load %arg5[%swap3A_914] {strides = array<i32>} : memref<5120xf32, #tpu.memory_space<vmem>>, vector<16xf32>,
      tpu.vector_store %arg5[%swap3A_914], %gather3A_907 {strides = array<i32>} : memref<5120xf32, #tpu.memory_space<vmem>>, vector<16xf32>,
    }
    %scan3A_80 = arith.constant 10 : i32
    "tpu.region"() ({
      %run_scoped3A = tpu.sem_alloc : memref<!tpu.dma_semaphore, #tpu.memory_space<semaphore_mem>>
      %dma_start3A_81 = arith.constant 0 : i32
      %dma_start3A_82 = tpu.memref_slice %arg3[%add3A, %dma_start3A_81] : memref<32x5120xf32, #tpu.memory_space<hbm>> -> memref<1x5120xf32, #tpu.memory_space<hbm>>
      %dma_start3A_83 = tpu.memref_squeeze %dma_start3A_82 : memref<1x5120xf32, #tpu.memory_space<hbm>> -> memref<5120xf32, #tpu.memory_space<hbm>>
      %dma_start3A_84 = arith.constant 0 : i32
      %dma_start3A_85 = tpu.memref_slice %arg3[%add3A, %dma_start3A_84] : memref<32x5120xf32, #tpu.memory_space<hbm>> -> memref<1x5120xf32, #tpu.memory_space<hbm>>
      %dma_start3A_86 = tpu.memref_squeeze %dma_start3A_85 : memref<1x5120xf32, #tpu.memory_space<hbm>> -> memref<5120xf32, #tpu.memory_space<hbm>>
      tpu.enqueue_dma source(%arg5 : memref<5120xf32, #tpu.memory_space<vmem>>) target(%dma_start3A_86 : memref<5120xf32, #tpu.memory_space<hbm>>) target_semaphore(%run_scoped3A : memref<!tpu.dma_semaphore, #tpu.memory_space<semaphore_mem>>)
      %dma_wait3A = arith.constant 0 : i32
      %dma_wait3A_87 = tpu.memref_slice %arg3[%add3A, %dma_wait3A] : memref<32x5120xf32, #tpu.memory_space<hbm>> -> memref<1x5120xf32, #tpu.memory_space<hbm>>
      %dma_wait3A_88 = tpu.memref_squeeze %dma_wait3A_87 : memref<1x5120xf32, #tpu.memory_space<hbm>> -> memref<5120xf32, #tpu.memory_space<hbm>>
      %dma_wait3A_89 = arith.constant 0 : i32
      %dma_wait3A_90 = tpu.memref_slice %arg3[%add3A, %dma_wait3A_89] : memref<32x5120xf32, #tpu.memory_space<hbm>> -> memref<1x5120xf32, #tpu.memory_space<hbm>>
      %dma_wait3A_91 = tpu.memref_squeeze %dma_wait3A_90 : memref<1x5120xf32, #tpu.memory_space<hbm>> -> memref<5120xf32, #tpu.memory_space<hbm>>
      tpu.wait_dma2 semaphore(%run_scoped3A : memref<!tpu.dma_semaphore, #tpu.memory_space<semaphore_mem>>) src(%arg5 : memref<5120xf32, #tpu.memory_space<vmem>>) dst(%dma_wait3A_91 : memref<5120xf32, #tpu.memory_space<hbm>>)
      tpu.yield
    }) : () -> ()
    return
  }
}

module attributes {stable_mosaic.version = 14 : i64} {
  func.func @_diag_tc_body(%arg0: i32, %arg1: i32, %arg2: memref<8x128x128xf32, #tpu.memory_space<vmem>>, %arg3: memref<1x128x128xf32, #tpu.memory_space<vmem>>, %arg4: memref<8x128xf32, #tpu.memory_space<vmem>>) attributes {dimension_semantics = [#tpu.dimension_semantics<arbitrary>, #tpu.dimension_semantics<arbitrary>], iteration_bounds = array<i64: 24, 4>, scalar_prefetch = 0 : i64, scratch_operands = 0 : i64, tpu.core_type = #tpu.core_type<tc>, window_params = [{transform_indices = @transform_0, window_bounds = array<i64: 8, 128, 128>}, {pipeline_mode = #tpu.pipeline_mode<synchronous>, transform_indices = @transform_1, window_bounds = array<i64: 1, 128, 128>}, {transform_indices = @transform_2, window_bounds = array<i64: 8, 128>}]} {
    %get3A = arith.constant 0 : index
    %get3A_0 = arith.constant 0 : index
    %get3A_1 = arith.constant 0 : index
    %get3A_2 = vector.load %arg2[%get3A, %get3A_0, %get3A_1] : memref<8x128x128xf32, #tpu.memory_space<vmem>>, vector<8x128x128xf32>
    %get3A_3 = arith.constant 0 : index
    %get3A_4 = arith.constant 0 : index
    %get3A_5 = arith.constant 0 : index
    %get3A_6 = vector.load %arg3[%get3A_3, %get3A_4, %get3A_5] : memref<1x128x128xf32, #tpu.memory_space<vmem>>, vector<1x128x128xf32>
    %mul3A = vector.broadcast %get3A_6 : vector<1x128x128xf32> to vector<8x128x128xf32>
    %mul3A_7 = arith.mulf %get3A_2, %mul3A : vector<8x128x128xf32>
    %broadcast_in_dim3A = arith.constant 1.000000e+00 : f32
    %broadcast_in_dim3A_8 = vector.broadcast %broadcast_in_dim3A : f32 to vector<128xf32>
    %dot_general3A = arith.constant dense<0.000000e+00> : vector<8x128xf32>
    %dot_general3A_9 = tpu.matmul %mul3A_7, %broadcast_in_dim3A_8, %dot_general3A {dimension_numbers = #tpu.dot_dimension_numbers<[1], [0], [0, 2], [], [0, 0, 0, 2], [], []>, transpose_lhs_hint = false} : vector<8x128x128xf32>, vector<128xf32>, vector<8x128xf32> -> vector<8x128xf32>
    %swap3A = arith.constant 0 : index
    %swap3A_10 = arith.constant 0 : index
    %swap3A_11 = vector.load %arg4[%swap3A, %swap3A_10] : memref<8x128xf32, #tpu.memory_space<vmem>>, vector<8x128xf32>
    tpu.vector_store %arg4[%swap3A, %swap3A_10], %dot_general3A_9 {strides = array<i32>} : memref<8x128xf32, #tpu.memory_space<vmem>>, vector<8x128xf32>,
    return
  }
  func.func @transform_0(%arg0: i32, %arg1: i32) -> (i32, i32, i32) {
    %add3A = arith.constant 40 : i32
    %add3A_0 = arith.addi %arg0, %add3A : i32
    %c0_i32 = arith.constant 0 : i32
    return %add3A_0, %arg1, %arg1 : i32, i32, i32
  }
  func.func @transform_1(%arg0: i32, %arg1: i32) -> (i32, i32, i32) {
    %c0_i32 = arith.constant 0 : i32
    %c0_i32_0 = arith.constant 0 : i32
    %c0_i32_1 = arith.constant 0 : i32
    %c0_i32_2 = arith.constant 0 : i32
    return %c0_i32, %c0_i32_0, %c0_i32_1 : i32, i32, i32
  }
  func.func @transform_2(%arg0: i32, %arg1: i32) -> (i32, i32) {
    %c0_i32 = arith.constant 0 : i32
    return %arg0, %arg1 : i32, i32
  }
}

</mosaic_0001>

<sc_bundles>
// kernel: _diag.4.cloned.1.call-start
scs
__scs_entry_jumppad:
0x0: {  	(pc) =	sbr.rel $0x88, $3  }
0x1: {  	(tag) =	ssettag $0x0;
	lr =	simm.s32 $0x1  }
0x2: {  	[smem:$0x3FA0] =	sst lr;
	_ =	strace $0xD0000000  }
0x3: {  	_ = 	snop  }
0x4: {  	_ = 	snop  }
0x5: {  	_ = 	snop  }
0x6: {  	_ = 	snop  }
0x7: {  	_ = 	snop  }
__scs_overlays_trampoline_lowered:
0x8: {  	[smem:$0x3FAF] =	sst s0  }
0x9: {  	[smem:$0x3FB0] =	sst s1  }
0xa: {  	[smem:$0x3FB1] =	sst s2  }
0xb: {  	[smem:$0x3FB2] =	sst s3  }
0xc: {  	[smem:$0x3FB3] =	sst s4  }
0xd: {  	[smem:$0x3FB4] =	sst s5  }
0xe: {  	[smem:$0x3FB5] =	sst s6  }
0xf: {  	[smem:$0x3FB6] =	sst s7  }
0x10: {  	[smem:$0x3FB7] =	sst s8  }
0x11: {  	[smem:$0x3FB8] =	sst s9;
	s0 =	simm.s32 @!p0 $0x0  }
0x12: {  	s1 =	sld [smem:$0x3F9E];
	s0 =	simm.s32 @p0 $0x1  }
0x13: {  	[smem:$0x3FB9] =	sst s0;
	s0 =	simm.s32 @!p1 $0x0  }
0x14: {  	s2 =	sld [smem:$0x3F9D];
	s0 =	simm.s32 @p1 $0x1  }
0x15: {  	[smem:$0x3FBA] =	sst s0;
	s0 =	simm.s32 @!p2 $0x0  }
0x16: {  	s3 =	sld [smem:$0x3FDB];
	s0 =	simm.s32 @p2 $0x1  }
0x17: {  	s4 =	simm.s32 $0x1BF5;
	[smem:$0x3FBC] =	sst s0  }
0x18: {  	s0 =	sld [smem:$0x3F9F];
	_ =	swait.ge [sflag:s4], $0x0  }
0x19: {  	s7 =	sld [smem:$0x3FA0]  }
0x1a: {  	s8 =	sadd.s32 $0xFFFFE003, lr  }
0x1b: {  	s9 =	sadd.s32 $0xFFFFFEF7, lr;
	s5 =	simm.s32 $0xFFFFFFFF;
	p2 =	slt.u32 s8, $0xFFFFF086  }
0x1c: {  	p1 =	slt.u32 s9, $0xF7A;
	s5 =	simm.s32 @!p2 $0x0  }
0x1d: {  	s5 =	simm.s32 @p1 $0x1;
	p0 =	seq.s32 s7, s2  }
0x1e: {  	s7 =	smul.u32 @!p0 $0xF7A, s2;
	p2 =	seq.s32 @!p0 s5, $0x0  }
0x1f: {  	s9 =	smul.u32 $0xF7A, s1;
	s8 =	simm.s32 @!p0 $0x1BF5;
	p2 =	por !p2, p0  }
0x20: {  	[sflag:s8] =	ssyncset.s32 @!p0 $0xFFFFF086;
	s6 =	sadd.s32 @!p0 s3, s7;
	s7 =	simm.s32 @!p0 $0x108  }
0x21: {  	s3 =	sadd.s32 s3, s9;
	s6 =	sadd.s32 @!p0 $0x88, s6;
	s7 =	simm.s32 @p2 $0x1082  }
0x22: {  	[simem:s7], [sflag:s8] =	dma.local @!p0 [hbm:s6], $0xF7A  }
0x23: {  	s9 =	sor.u32 $0xD0000000, s2;
	s6 =	simm.s32 $0x108;
	_ =	swait.ge @!p0 [sflag:s8], $0x0  }
0x24: {  	s3 =	sadd.s32 $0x88, s3;
	s6 =	simm.s32 @!p1 $0x1082;
	[sflag:s4] =	ssyncset.s32 $0xFFFFF086  }
0x25: {  	[simem:s6], [sflag:s4] =	dma.local [hbm:s3], $0xF7A  }
0x26: {  	[smem:$0x3FA0] =	sst s1;
	(tag) =	ssettag s2;
	_ =	strace s9  }
0x27: {  	s1 =	sld [smem:$0x3FB0]  }
0x28: {  	s2 =	sld [smem:$0x3FB1]  }
0x29: {  	s4 =	sld [smem:$0x3FB3]  }
0x2a: {  	p0 =	seq.s32 s5, $0x0;
	s5 =	sld [smem:$0x3FB4]  }
0x2b: {  	s6 =	sld [smem:$0x3FB5]  }
0x2c: {  	s7 =	sld [smem:$0x3FB6]  }
0x2d: {  	s3 =	simm.s32 $0x108;
	s8 =	sld [smem:$0x3FB7]  }
0x2e: {  	s3 =	simm.s32 @!p0 $0x1082;
	s9 =	sld [smem:$0x3FB8]  }
0x2f: {  	lr =	sadd.s32 s0, s3;
	s0 =	sld [smem:$0x3FAF]  }
0x30: {  	s3 =	sld [smem:$0x3FB2]  }
0x31: {  	[smem:$0x3FBB] =	sst s10  }
0x32: {  	s10 =	sld [smem:$0x3FB9];
	_ =	sdelay $0x3  }
0x33: {  	p0 =	seq.s32 s10, $0x1;
	s10 =	sld [smem:$0x3FBB];
	_ =	sdelay $0x3  }
0x34: {  	[smem:$0x3FBB] =	sst s10  }
0x35: {  	s10 =	sld [smem:$0x3FBA];
	_ =	sdelay $0x3  }
0x36: {  	p1 =	seq.s32 s10, $0x1;
	s10 =	sld [smem:$0x3FBB];
	_ =	sdelay $0x3  }
0x37: {  	[smem:$0x3FBB] =	sst s10  }
0x38: {  	s10 =	sld [smem:$0x3FBC]  }
0x39: {  	_ = 	snop;
	(pc) =	sbr.ind lr, $3  }
0x3a: {  	_ = 	snop  }
0x3b: {  	_ = 	snop  }
0x3c: {  	p2 =	seq.s32 s10, $0x1;
	s10 =	sld [smem:$0x3FBB]  }
0x3d: {  	_ =	shalt  }
0x3e: {  	_ =	shalt  }
0x3f: {  	_ =	shalt  }
0x40: {  	_ =	shalt  }
0x41: {  	_ =	shalt  }
0x42: {  	_ =	shalt  }
0x43: {  	_ =	shalt  }
0x44: {  	_ =	shalt  }
0x45: {  	_ =	shalt  }
0x46: {  	_ =	shalt  }
0x47: {  	_ =	shalt  }
0x48: {  	_ =	shalt  }
0x49: {  	_ =	shalt  }
0x4a: {  	_ =	shalt  }
0x4b: {  	_ =	shalt  }
0x4c: {  	_ =	shalt  }
0x4d: {  	_ =	shalt  }
0x4e: {  	_ =	shalt  }
0x4f: {  	_ =	shalt  }
0x50: {  	_ =	shalt  }
0x51: {  	_ =	shalt  }
0x52: {  	_ =	shalt  }
0x53: {  	_ =	shalt  }
0x54: {  	_ =	shalt  }
0x55: {  	_ =	shalt  }
0x56: {  	_ =	shalt  }
0x57: {  	_ =	shalt  }
0x58: {  	_ =	shalt  }
0x59: {  	_ =	shalt  }
0x5a: {  	_ =	shalt  }
0x5b: {  	_ =	shalt  }
0x5c: {  	_ =	shalt  }
0x5d: {  	_ =	shalt  }
0x5e: {  	_ =	shalt  }
0x5f: {  	_ =	shalt  }
0x60: {  	_ =	shalt  }
0x61: {  	_ =	shalt  }
0x62: {  	_ =	shalt  }
0x63: {  	_ =	shalt  }
0x64: {  	_ =	shalt  }
0x65: {  	_ =	shalt  }
0x66: {  	_ =	shalt  }
0x67: {  	_ =	shalt  }
0x68: {  	_ =	shalt  }
0x69: {  	_ =	shalt  }
0x6a: {  	_ =	shalt  }
0x6b: {  	_ =	shalt  }
0x6c: {  	_ =	shalt  }
0x6d: {  	_ =	shalt  }
0x6e: {  	_ =	shalt  }
0x6f: {  	_ =	shalt  }
0x70: {  	_ =	shalt  }
0x71: {  	_ =	shalt  }
0x72: {  	_ =	shalt  }
0x73: {  	_ =	shalt  }
0x74: {  	_ =	shalt  }
0x75: {  	_ =	shalt  }
0x76: {  	_ =	shalt  }
0x77: {  	_ =	shalt  }
0x78: {  	_ =	shalt  }
0x79: {  	_ =	shalt  }
0x7a: {  	_ =	shalt  }
0x7b: {  	_ =	shalt  }
0x7c: {  	_ =	shalt  }
0x7d: {  	_ =	shalt  }
0x7e: {  	_ =	shalt  }
0x7f: {  	_ =	shalt  }
0x80: {  	_ =	shalt  }
0x81: {  	_ =	shalt  }
0x82: {  	_ =	shalt  }
0x83: {  	_ =	shalt  }
0x84: {  	_ =	shalt  }
0x85: {  	_ =	shalt  }
0x86: {  	_ =	shalt  }
0x87: {  	_ =	shalt  }
.Lfunc_end0:
.L_simem_size_0:
called_computation_lowered:
.L_overlay_start_0:
0x88: {  	s2 =	sld [smem:$0x3FD9]  }
0x89: {  	s3 =	sld [smem:$0x3FFE];
	_ =	sdelay $0x1  }
0x8a: {  	s1 =	srdreg.scid  }
0x8b: {  	s0 =	sand.u32 $0x1, s1  }
0x8c: {  	s18 =	sshll.u32 s0, $0xA;
	s2 =	sadd.s32 s3, s2  }
0x8d: {  	s2 =	sadd.s32 s2, s18  }
0x8e: {  	[smem:$0x3FC7] =	sst s2  }
0x8f: {  	_ = 	snop  }
0x90: {  	s2 =	sld [smem:$0x3FC9]  }
0x91: {  	s19 =	sld [smem:$0x3FD0];
	(tm) =	ssettm $0x1  }
0x92: {  	s4 =	sld [smem:$0x3FFB];
	_ =	sdelay $0x3  }
0x93: {  	_ =	strace s4  }
0x94: {  	s4 =	sld [smem:$0x3FFC];
	_ =	sdelay $0x3  }
0x95: {  	_ =	strace s4  }
0x96: {  	s4 =	sld [smem:$0x3FFD];
	_ =	sdelay $0x3  }
0x97: {  	_ =	strace s4  }
0x98: {  	_ =	strace $0x8FFFFFFF  }
0x99: {  	s20 =	sld [smem:$0x3FDB];
	_ =	sdelay $0x1  }
0x9a: {  	s5 =	simm.s32 $_scs_section_size  }
0x9b: {  	s6 =	simm.s32 $_size__tile_overlayer_lowered;
	s7 =	simm.s32 $_tile_overlayer_lowered  }
0x9c: {  	s23 =	simm.s32 $0x1BFF;
	s22 =	sshll.u32 s7, $0x1;
	s4 =	sadd.s32 s5, s20  }
0x9d: {  	s8 =	simm.s32 $0x0;
	s21 =	sshll.u32 s6, $0x1;
	s6 =	sadd.s32 s22, s4  }
0x9e: {  	[timem:s8], [sflag:s23] =	dma.local [hbm:s6], s21  }
0x9f: {  	_ =	swait.ge [sflag:s23], s21  }
0xa0: {  	s5 =	ssub.s32 $0x0, s21;
	[sflag:s23] =	ssyncset.done $0x0  }
0xa1: {  	[sflag:s23] =	ssyncadd.s32 s5;
	_ =	sdelay $0x1  }
0xa2: {  	s24 =	simm.s32 $0x1B8B  }
0xa3: {  	_ =	swait.ge [sflag:s24], $0x1  }
0xa4: {  	[sflag:s24] =	ssyncset.done $0x0  }
0xa5: {  	s25 =	simm.s32 $0x1B8E;
	[sflag:s24] =	ssyncadd.s32 $0xFFFFFFFF  }
0xa6: {  	s26 =	simm.s32 $execute0_lowered;
	[smem:$0x3FD2] =	sst s25  }
0xa7: {  	s5 =	sshll.u32 s26, $0x1;
	_ =	strace $0x80000046;
	[dreg:$0x1] =	wrdreg $0xFFFFFFFF  }
0xa8: {  	s28 =	simm.s32 $_size_execute0_lowered;
	s4 =	sadd.s32 s4, s5;
	[dreg:$0x0] =	wrdreg $0x0  }
0xa9: {  	s5 =	sshll.u32 s28, $0x1;
	[dreg:$0x2] =	wrdreg s4  }
0xaa: {  	[dreg:$0x3] =	wrdreg s5  }
0xab: {  	[dreg:$0x4] =	wrdreg $0xC0  }
0xac: {  	_ =	task [dreg:s8], $0x5FFFF  }
0xad: {  	[dreg:$0x1] =	wrdreg $0xFFFFFFFF  }
0xae: {  	[dreg:$0x0] =	wrdreg $0x60  }
0xaf: {  	[dreg:$0x2] =	wrdreg s2  }
0xb0: {  	[dreg:$0x3] =	wrdreg s19  }
0xb1: {  	[dreg:$0x4] =	wrdreg $0x9  }
0xb2: {  	_ =	task.clear_ibuf [dreg:s8], $0x5FFFF;
	_ =	strace $0x90000046  }
0xb3: {  	s29 =	simm.s32 $0x9;
	_ =	strace $0x80000048  }
0xb4: {  	_ =	swait.ge [sflag:s29], $0x1  }
0xb5: {  	[sflag:s29] =	ssyncadd.s32 $0xFFFFFFFF  }
0xb6: {  	_ =	strace $0x90000048  }
0xb7: {  	_ =	sfence  }
0xb8: {  	s30 =	sld [smem:$0x0];
	_ =	sdelay $0x2  }
0xb9: {  	s31 =	sshll.u32 s1, $0xD;
	s1 =	sshrl.u32 s1, $0x2  }
0xba: {  	s3 =	sand.u32 $0x4000, s31;
	s1 =	sadd.s32 s1, s30  }
0xbb: {  	s0 =	sor.u32 s3, s0;
	s1 =	sshll.u32 s1, $0x11  }
0xbc: {  	s0 =	sor.u32 s1, s0  }
0xbd: {  	s0 =	sadd.s32 $0x8F2B, s0  }
0xbe: {  	[sflag:s0] =	ssyncadd.remote.s32 $0x1  }
0xbf: {  	_ =	sfence.sel $0xFFFF  }
0xc0: {  	[dreg:$0x0] =	wrdreg $0xFFFFFFFF;
	(pc) =	sbr.abs _section_cstart, $3  }
0xc1: {  	[dreg:$0x1] =	wrdreg $0xFFFFFFFF  }
0xc2: {  	_ =	task.clear_ibuf [dreg:s8], $0x2FFFF;
	_ =	strace $0x9FFFFFFF  }
0xc3: {  	(tm) =	ssettm $0x7FFFFFFF  }
tec
execute0_lowered:
.L_overlay_start_1:
0x0: {  	(tag) =	ssettag $0x1  }
0x1: {  	s1 =	srdreg.scid  }
0x2: {  	s0 =	stileid.u32;
	s7 =	rddreg [dreg:$0x0]  }
0x3: {  	s5 =	rddreg [dreg:$0x1];
	s2 =	simm.s32 $0x0;
	s13 =	simm.s32 $0xC000  }
0x4: {  	s14 =	simm.s32 $0x1;
	s15 =	simm.s32 $0x2;
	s16 =	simm.s32 $0x80  }
0x5: {  	s17 =	simm.s32 $0x10000;
	s18 =	simm.s32 $0x3;
	s19 =	simm.s32 $0x0  }
0x6: {  	s3 =	sand.u32 $0x1, s1;
	s29 =	sshll.u32 s0, $0x1;
	s1 =	rddreg [dreg:$0x2]  }
0x7: {  	s8 =	sshrl.u32 s0, $0x2;
	[smem:$0x7FF] =	sst s2;
	s10 =	smul.u32 $0x28, s0  }
0x8: {  	s4 =	sor.u32 s3, s29;
	s8 =	smul.u32 $0xA000, s8;
	s9 =	ssub.s32 $0x2, s3  }
0x9: {  	s12 =	smul.u32 $0x14, s3;
	_ =	strace $0x80000047;
	s11 =	sshrl.u32 s9, $0x1  }
0xa: {  	v0 =	vlaneseq.u32;
	s6 =	smul.u32 $0x50000, s4;
	s4 =	sshll.u32 s4, $0x7;
	s9 =	ssub.s32 s9, s11  }
0xb: {  	v0 =	vmul.u32 $0x81, v0;
	s4 =	sand.u32 $0x380, s4;
	s31 =	sadd.s32 s12, s10;
	s10 =	simm.s32 $0x1000  }
0xc: {  	s11 =	simm.s32 $0x4000;
	s12 =	simm.s32 $0x8000;
	s30 =	sor.u32 s8, s4  }
0xd: {  	v1 =	vadd.s32 $0x810, v0;
	s3 =	sadd.s32 s7, s6;
	s8 =	sshll.u32 s31, $0xE;
	s6 =	sshrl.u32 s30, $0x3  }
0xe: {  	v2 =	vadd.s32 $0x1020, v0;
	v3 =	vadd.s32 $0x1830, v0;
	v4 =	vadd.s32 $0x2040, v0;
	s4 =	sadd.s32 $0x2080, s3;
	s7 =	sadd.s32 s8, s7;
	s5 =	sadd.s32 s5, s6  }
0xf: {  	v5 =	vadd.s32 $0x2850, v0;
	v6 =	vadd.s32 $0x3060, v0;
	v7 =	vadd.s32 $0x3870, v0;
	s6 =	smax.u32 s9, $0x1;
	s8 =	sadd.s32 $0x8000, s7;
	s9 =	simm.s32 $0x400  }
.LBB2_1:
0x10: {  	[tilespmem:s2], [sflag:$0x1] =	stream.strided.gather [hbm4b:s3+s9], $0x4000, s10, s9, $0x38;
	[tilespmem:$0x11400] =	vst v63  }
0x11: {  	s20 =	sadd.s32 $0x0, s7  }
0x12: {  	[tilespmem:s11], [sflag:$0x1] =	stream.strided.gather [hbm4b:s4+s9], $0x4000, s10, s9, $0x38;
	[tilespmem:$0x11400] =	vst v63  }
0x13: {  	s21 =	sadd.s32 $0x4100, s20  }
0x14: {  	[tilespmem:s12], [sflag:$0x2] =	stream.strided.gather [hbm4b:s21+s9], $0x4000, s10, s9, $0x38;
	[tilespmem:$0x11400] =	vst v63  }
0x15: {  	s20 =	sadd.s32 $0x6180, s20  }
0x16: {  	[tilespmem:s13], [sflag:$0x2] =	stream.strided.gather [hbm4b:s20+s9], $0x4000, s10, s9, $0x38;
	[tilespmem:$0x11400] =	vst v63  }
0x17: {  	_ =	swait.ge [sflag:s14], $0x4000  }
0x18: {  	[sflag:s14] =	ssyncset.done $0x0  }
0x19: {  	[sflag:s14] =	ssyncadd.s32 $0xFFFFC000  }
0x1a: {  	_ =	swait.ge [sflag:s14], $0x4000  }
0x1b: {  	[sflag:s14] =	ssyncset.done $0x0  }
0x1c: {  	[sflag:s14] =	ssyncadd.s32 $0xFFFFC000  }
0x1d: {  	v8 =	vld.idx.msk [tilespmem:v0+s2+$0x0], $0xffff;
	_ =	sdelay $0x3  }
0x1e: {  	s20 =	simm.s32 $0x10100  }
0x1f: {  	[tilespmem:s20+$0xFFFFFF00] =	vst v8  }
0x20: {  	v8 =	vld.idx.msk [tilespmem:v1+s2+$0x0], $0xffff;
	_ =	sdelay $0x4  }
0x21: {  	[tilespmem:s20+$0xFFFFFF10] =	vst v8  }
0x22: {  	v8 =	vld.idx.msk [tilespmem:v2+s2+$0x0], $0xffff;
	_ =	sdelay $0x4  }
0x23: {  	[tilespmem:s20+$0xFFFFFF20] =	vst v8  }
0x24: {  	v8 =	vld.idx.msk [tilespmem:v3+s2+$0x0], $0xffff;
	_ =	sdelay $0x4  }
0x25: {  	[tilespmem:s20+$0xFFFFFF30] =	vst v8  }
0x26: {  	v8 =	vld.idx.msk [tilespmem:v4+s2+$0x0], $0xffff;
	_ =	sdelay $0x4  }
0x27: {  	[tilespmem:s20+$0xFFFFFF40] =	vst v8  }
0x28: {  	v8 =	vld.idx.msk [tilespmem:v5+s2+$0x0], $0xffff;
	_ =	sdelay $0x4  }
0x29: {  	[tilespmem:s20+$0xFFFFFF50] =	vst v8  }
0x2a: {  	v8 =	vld.idx.msk [tilespmem:v6+s2+$0x0], $0xffff;
	_ =	sdelay $0x4  }
0x2b: {  	[tilespmem:s20+$0xFFFFFF60] =	vst v8  }
0x2c: {  	v8 =	vld.idx.msk [tilespmem:v7+s2+$0x0], $0xffff;
	_ =	sdelay $0x4  }
0x2d: {  	[tilespmem:s20+$0xFFFFFF70] =	vst v8  }
0x2e: {  	v8 =	vld.idx.msk [tilespmem:v0+s11+$0x0], $0xffff;
	_ =	sdelay $0x4  }
0x2f: {  	[tilespmem:s20+$0xFFFFFF80] =	vst v8  }
0x30: {  	v8 =	vld.idx.msk [tilespmem:v1+s11+$0x0], $0xffff;
	_ =	sdelay $0x4  }
0x31: {  	[tilespmem:s20+$0xFFFFFF90] =	vst v8  }
0x32: {  	v8 =	vld.idx.msk [tilespmem:v2+s11+$0x0], $0xffff;
	_ =	sdelay $0x4  }
0x33: {  	[tilespmem:s20+$0xFFFFFFA0] =	vst v8  }
0x34: {  	v8 =	vld.idx.msk [tilespmem:v3+s11+$0x0], $0xffff;
	_ =	sdelay $0x4  }
0x35: {  	[tilespmem:s20+$0xFFFFFFB0] =	vst v8  }
0x36: {  	v8 =	vld.idx.msk [tilespmem:v4+s11+$0x0], $0xffff;
	_ =	sdelay $0x4  }
0x37: {  	[tilespmem:s20+$0xFFFFFFC0] =	vst v8  }
0x38: {  	v8 =	vld.idx.msk [tilespmem:v5+s11+$0x0], $0xffff;
	_ =	sdelay $0x4  }
0x39: {  	[tilespmem:s20+$0xFFFFFFD0] =	vst v8  }
0x3a: {  	v8 =	vld.idx.msk [tilespmem:v6+s11+$0x0], $0xffff;
	_ =	sdelay $0x4  }
0x3b: {  	[tilespmem:s20+$0xFFFFFFE0] =	vst v8  }
0x3c: {  	v8 =	vld.idx.msk [tilespmem:v7+s11+$0x0], $0xffff;
	_ =	sdelay $0x2  }
0x3d: {  	p0 =	por $0x0, $0x0  }
0x3e: {  	s22 =	simm.s32 @!p0 $0x400  }
0x3f: {  	s23 =	simm.s32 @!p0 $0x1000;
	s24 =	simm.s32 @!p0 $0x0;
	s21 =	sadd.s32 @!p0 $0x0, s8;
	[tilespmem:s20+$0xFFFFFFF0] =	vst v8  }
0x40: {  	[tilespmem:s24], [sflag:$0x1] =	stream.strided.gather @!p0 [hbm4b:s21+s22], $0x4000, s23, s22, $0x38;
	[tilespmem:$0x11400] =	vst v63  }
0x41: {  	s21 =	sadd.s32 @!p0 $0x2080, s21;
	s24 =	simm.s32 @!p0 $0x4000  }
0x42: {  	[tilespmem:s24], [sflag:$0x1] =	stream.strided.gather @!p0 [hbm4b:s21+s22], $0x4000, s23, s22, $0x38;
	[tilespmem:$0x11400] =	vst v63  }
0x43: {  	_ =	swait.ge [sflag:s15], $0x4000  }
0x44: {  	[sflag:s15] =	ssyncset.done $0x0  }
0x45: {  	[sflag:s15] =	ssyncadd.s32 $0xFFFFC000  }
0x46: {  	_ =	swait.ge [sflag:s15], $0x4000  }
0x47: {  	[sflag:s15] =	ssyncset.done $0x0  }
0x48: {  	[sflag:s15] =	ssyncadd.s32 $0xFFFFC000  }
0x49: {  	v8 =	vld.idx.msk [tilespmem:v0+s12+$0x0], $0xffff;
	_ =	sdelay $0x4  }
0x4a: {  	[tilespmem:s20+$0x0] =	vst v8  }
0x4b: {  	v8 =	vld.idx.msk [tilespmem:v1+s12+$0x0], $0xffff;
	_ =	sdelay $0x4  }
0x4c: {  	[tilespmem:s20+$0x10] =	vst v8  }
0x4d: {  	v8 =	vld.idx.msk [tilespmem:v2+s12+$0x0], $0xffff;
	_ =	sdelay $0x4  }
0x4e: {  	[tilespmem:s20+$0x20] =	vst v8  }
0x4f: {  	v8 =	vld.idx.msk [tilespmem:v3+s12+$0x0], $0xffff;
	_ =	sdelay $0x4  }
0x50: {  	[tilespmem:s20+$0x30] =	vst v8  }
0x51: {  	v8 =	vld.idx.msk [tilespmem:v4+s12+$0x0], $0xffff;
	_ =	sdelay $0x4  }
0x52: {  	[tilespmem:s20+$0x40] =	vst v8  }
0x53: {  	v8 =	vld.idx.msk [tilespmem:v5+s12+$0x0], $0xffff;
	_ =	sdelay $0x4  }
0x54: {  	[tilespmem:s20+$0x50] =	vst v8  }
0x55: {  	v8 =	vld.idx.msk [tilespmem:v6+s12+$0x0], $0xffff;
	_ =	sdelay $0x4  }
0x56: {  	[tilespmem:s20+$0x60] =	vst v8  }
0x57: {  	v8 =	vld.idx.msk [tilespmem:v7+s12+$0x0], $0xffff;
	_ =	sdelay $0x4  }
0x58: {  	[tilespmem:s20+$0x70] =	vst v8  }
0x59: {  	v8 =	vld.idx.msk [tilespmem:v0+s13+$0x0], $0xffff;
	_ =	sdelay $0x4  }
0x5a: {  	[tilespmem:s20+$0x80] =	vst v8  }
0x5b: {  	v8 =	vld.idx.msk [tilespmem:v1+s13+$0x0], $0xffff;
	_ =	sdelay $0x4  }
0x5c: {  	[tilespmem:s20+$0x90] =	vst v8  }
0x5d: {  	v8 =	vld.idx.msk [tilespmem:v2+s13+$0x0], $0xffff;
	_ =	sdelay $0x4  }
0x5e: {  	[tilespmem:s20+$0xA0] =	vst v8  }
0x5f: {  	v8 =	vld.idx.msk [tilespmem:v3+s13+$0x0], $0xffff;
	_ =	sdelay $0x4  }
0x60: {  	[tilespmem:s20+$0xB0] =	vst v8  }
0x61: {  	v8 =	vld.idx.msk [tilespmem:v4+s13+$0x0], $0xffff;
	_ =	sdelay $0x4  }
0x62: {  	[tilespmem:s20+$0xC0] =	vst v8  }
0x63: {  	v8 =	vld.idx.msk [tilespmem:v5+s13+$0x0], $0xffff;
	_ =	sdelay $0x4  }
0x64: {  	[tilespmem:s20+$0xD0] =	vst v8  }
0x65: {  	v8 =	vld.idx.msk [tilespmem:v6+s13+$0x0], $0xffff;
	_ =	sdelay $0x4  }
0x66: {  	[tilespmem:s20+$0xE0] =	vst v8  }
0x67: {  	v8 =	vld.idx.msk [tilespmem:v7+s13+$0x0], $0xffff  }
0x68: {  	s25 =	sadd.s32 $0x8000, s7  }
0x69: {  	s21 =	simm.s32 $0x8000;
	s22 =	simm.s32 $0x10000;
	s23 =	simm.s32 $0x10100  }
.LBB2_2:
0x6a: {  	s26 =	sadd.s32 $0x4100, s25  }
0x6b: {  	s20 =	sadd.s32 $0x200, s20;
	s24 =	smov.u32 s22;
	s22 =	sadd.s32 $0x8000, s22  }
0x6c: {  	p0 =	sne.s32 s22, $0x50000;
	[tilespmem:s23+$0xF0] =	vst v8;
	s23 =	smov.u32 s20  }
0x6d: {  	[tilespmem:s12], [sflag:$0x2] =	stream.strided.gather [hbm4b:s26+s9], $0x4000, s10, s9, $0x38;
	[tilespmem:$0x11400] =	vst v63  }
0x6e: {  	s25 =	sadd.s32 $0x6180, s25  }
0x6f: {  	[tilespmem:s13], [sflag:$0x2] =	stream.strided.gather [hbm4b:s25+s9], $0x4000, s10, s9, $0x38;
	[tilespmem:$0x11400] =	vst v63  }
0x70: {  	_ =	swait.ge [sflag:s14], $0x4000  }
0x71: {  	[sflag:s14] =	ssyncset.done $0x0  }
0x72: {  	[sflag:s14] =	ssyncadd.s32 $0xFFFFC000  }
0x73: {  	_ =	swait.ge [sflag:s14], $0x4000  }
0x74: {  	[sflag:s14] =	ssyncset.done $0x0  }
0x75: {  	[sflag:s14] =	ssyncadd.s32 $0xFFFFC000  }
0x76: {  	v8 =	vld.idx.msk [tilespmem:v0+s2+$0x0], $0xffff;
	_ =	sdelay $0x5  }
0x77: {  	[tilespmem:s20+$0xFFFFFF00] =	vst v8  }
0x78: {  	v8 =	vld.idx.msk [tilespmem:v1+s2+$0x0], $0xffff;
	_ =	sdelay $0x5  }
0x79: {  	[tilespmem:s20+$0xFFFFFF10] =	vst v8  }
0x7a: {  	v8 =	vld.idx.msk [tilespmem:v2+s2+$0x0], $0xffff;
	_ =	sdelay $0x5  }
0x7b: {  	[tilespmem:s20+$0xFFFFFF20] =	vst v8  }
0x7c: {  	v8 =	vld.idx.msk [tilespmem:v3+s2+$0x0], $0xffff;
	_ =	sdelay $0x5  }
0x7d: {  	[tilespmem:s20+$0xFFFFFF30] =	vst v8  }
0x7e: {  	v8 =	vld.idx.msk [tilespmem:v4+s2+$0x0], $0xffff;
	_ =	sdelay $0x5  }
0x7f: {  	[tilespmem:s20+$0xFFFFFF40] =	vst v8  }
0x80: {  	v8 =	vld.idx.msk [tilespmem:v5+s2+$0x0], $0xffff;
	_ =	sdelay $0x5  }
0x81: {  	[tilespmem:s20+$0xFFFFFF50] =	vst v8  }
0x82: {  	v8 =	vld.idx.msk [tilespmem:v6+s2+$0x0], $0xffff;
	_ =	sdelay $0x5  }
0x83: {  	[tilespmem:s20+$0xFFFFFF60] =	vst v8  }
0x84: {  	v8 =	vld.idx.msk [tilespmem:v7+s2+$0x0], $0xffff;
	_ =	sdelay $0x5  }
0x85: {  	[tilespmem:s20+$0xFFFFFF70] =	vst v8  }
0x86: {  	v8 =	vld.idx.msk [tilespmem:v0+s11+$0x0], $0xffff;
	_ =	sdelay $0x5  }
0x87: {  	[tilespmem:s20+$0xFFFFFF80] =	vst v8  }
0x88: {  	v8 =	vld.idx.msk [tilespmem:v1+s11+$0x0], $0xffff;
	_ =	sdelay $0x5  }
0x89: {  	[tilespmem:s20+$0xFFFFFF90] =	vst v8  }
0x8a: {  	v8 =	vld.idx.msk [tilespmem:v2+s11+$0x0], $0xffff;
	_ =	sdelay $0x5  }
0x8b: {  	[tilespmem:s20+$0xFFFFFFA0] =	vst v8  }
0x8c: {  	v8 =	vld.idx.msk [tilespmem:v3+s11+$0x0], $0xffff;
	_ =	sdelay $0x5  }
0x8d: {  	[tilespmem:s20+$0xFFFFFFB0] =	vst v8  }
0x8e: {  	v8 =	vld.idx.msk [tilespmem:v4+s11+$0x0], $0xffff;
	_ =	sdelay $0x5  }
0x8f: {  	[tilespmem:s20+$0xFFFFFFC0] =	vst v8  }
0x90: {  	v8 =	vld.idx.msk [tilespmem:v5+s11+$0x0], $0xffff;
	_ =	sdelay $0x5  }
0x91: {  	[tilespmem:s20+$0xFFFFFFD0] =	vst v8  }
0x92: {  	v8 =	vld.idx.msk [tilespmem:v6+s11+$0x0], $0xffff;
	_ =	sdelay $0x5  }
0x93: {  	[tilespmem:s20+$0xFFFFFFE0] =	vst v8  }
0x94: {  	v8 =	vld.idx.msk [tilespmem:v7+s11+$0x0], $0xffff;
	_ =	sdelay $0x3  }
0x95: {  	p1 =	seq.s32 s21, $0x48000  }
0x96: {  	s21 =	sadd.s32 @!p1 s21, s8;
	s26 =	simm.s32 @!p1 $0x1000;
	s25 =	simm.s32 @!p1 $0x400  }
0x97: {  	s28 =	simm.s32 @!p1 $0x0;
	s30 =	simm.s32 @!p1 $0x4000;
	s29 =	sadd.s32 @!p1 $0x2080, s21;
	[tilespmem:s20+$0xFFFFFFF0] =	vst v8  }
0x98: {  	[tilespmem:s28], [sflag:$0x1] =	stream.strided.gather @!p1 [hbm4b:s21+s25], $0x4000, s26, s25, $0x38;
	[tilespmem:$0x11400] =	vst v63  }
0x99: {  	s21 =	smov.u32 s24  }
0x9a: {  	[tilespmem:s30], [sflag:$0x1] =	stream.strided.gather @!p1 [hbm4b:s29+s25], $0x4000, s26, s25, $0x38;
	[tilespmem:$0x11400] =	vst v63  }
0x9b: {  	_ =	swait.ge [sflag:s15], $0x4000  }
0x9c: {  	[sflag:s15] =	ssyncset.done $0x0  }
0x9d: {  	[sflag:s15] =	ssyncadd.s32 $0xFFFFC000  }
0x9e: {  	_ =	swait.ge [sflag:s15], $0x4000  }
0x9f: {  	[sflag:s15] =	ssyncset.done $0x0  }
0xa0: {  	[sflag:s15] =	ssyncadd.s32 $0xFFFFC000  }
0xa1: {  	v8 =	vld.idx.msk [tilespmem:v0+s12+$0x0], $0xffff;
	_ =	sdelay $0x5  }
0xa2: {  	[tilespmem:s20+$0x0] =	vst v8  }
0xa3: {  	v8 =	vld.idx.msk [tilespmem:v1+s12+$0x0], $0xffff;
	_ =	sdelay $0x5  }
0xa4: {  	[tilespmem:s20+$0x10] =	vst v8  }
0xa5: {  	v8 =	vld.idx.msk [tilespmem:v2+s12+$0x0], $0xffff;
	_ =	sdelay $0x5  }
0xa6: {  	[tilespmem:s20+$0x20] =	vst v8  }
0xa7: {  	v8 =	vld.idx.msk [tilespmem:v3+s12+$0x0], $0xffff;
	_ =	sdelay $0x5  }
0xa8: {  	[tilespmem:s20+$0x30] =	vst v8  }
0xa9: {  	v8 =	vld.idx.msk [tilespmem:v4+s12+$0x0], $0xffff;
	_ =	sdelay $0x5  }
0xaa: {  	[tilespmem:s20+$0x40] =	vst v8  }
0xab: {  	v8 =	vld.idx.msk [tilespmem:v5+s12+$0x0], $0xffff;
	_ =	sdelay $0x5  }
0xac: {  	[tilespmem:s20+$0x50] =	vst v8  }
0xad: {  	v8 =	vld.idx.msk [tilespmem:v6+s12+$0x0], $0xffff;
	_ =	sdelay $0x5  }
0xae: {  	[tilespmem:s20+$0x60] =	vst v8  }
0xaf: {  	v8 =	vld.idx.msk [tilespmem:v7+s12+$0x0], $0xffff;
	_ =	sdelay $0x5  }
0xb0: {  	[tilespmem:s20+$0x70] =	vst v8  }
0xb1: {  	v8 =	vld.idx.msk [tilespmem:v0+s13+$0x0], $0xffff;
	_ =	sdelay $0x5  }
0xb2: {  	[tilespmem:s20+$0x80] =	vst v8  }
0xb3: {  	v8 =	vld.idx.msk [tilespmem:v1+s13+$0x0], $0xffff;
	_ =	sdelay $0x5  }
0xb4: {  	[tilespmem:s20+$0x90] =	vst v8  }
0xb5: {  	v8 =	vld.idx.msk [tilespmem:v2+s13+$0x0], $0xffff;
	_ =	sdelay $0x5  }
0xb6: {  	[tilespmem:s20+$0xA0] =	vst v8  }
0xb7: {  	v8 =	vld.idx.msk [tilespmem:v3+s13+$0x0], $0xffff;
	_ =	sdelay $0x5  }
0xb8: {  	[tilespmem:s20+$0xB0] =	vst v8  }
0xb9: {  	v8 =	vld.idx.msk [tilespmem:v4+s13+$0x0], $0xffff;
	_ =	sdelay $0x5  }
0xba: {  	[tilespmem:s20+$0xC0] =	vst v8  }
0xbb: {  	v8 =	vld.idx.msk [tilespmem:v5+s13+$0x0], $0xffff;
	_ =	sdelay $0x5  }
0xbc: {  	[tilespmem:s20+$0xD0] =	vst v8  }
0xbd: {  	v8 =	vld.idx.msk [tilespmem:v6+s13+$0x0], $0xffff;
	_ =	sdelay $0x5  }
0xbe: {  	[tilespmem:s20+$0xE0] =	vst v8  }
.Ltmp0:
0xbf: {  	v8 =	vld.idx.msk [tilespmem:v7+s13+$0x0], $0xffff;
	(pc) =	sbr.rel @p0 .LBB2_2-.Ltmp0, $2  }
0xc0: {  	_ =	sdelay $0x2  }
0xc1: {  	s25 =	sadd.s32 s21, s7  }
0xc2: {  	s22 =	sadd.s32 $0x4100, s25;
	[tilespmem:s23+$0xF0] =	vst v8  }
0xc3: {  	[tilespmem:s12], [sflag:$0x2] =	stream.strided.gather [hbm4b:s22+s9], $0x4000, s10, s9, $0x38;
	[tilespmem:$0x11400] =	vst v63  }
0xc4: {  	s31 =	sadd.s32 $0x6180, s25  }
0xc5: {  	[tilespmem:s13], [sflag:$0x2] =	stream.strided.gather [hbm4b:s31+s9], $0x4000, s10, s9, $0x38;
	[tilespmem:$0x11400] =	vst v63  }
0xc6: {  	_ =	swait.ge [sflag:s14], $0x4000  }
0xc7: {  	[sflag:s14] =	ssyncset.done $0x0  }
0xc8: {  	[sflag:s14] =	ssyncadd.s32 $0xFFFFC000  }
0xc9: {  	_ =	swait.ge [sflag:s14], $0x4000  }
0xca: {  	[sflag:s14] =	ssyncset.done $0x0  }
0xcb: {  	[sflag:s14] =	ssyncadd.s32 $0xFFFFC000  }
0xcc: {  	v8 =	vld.idx.msk [tilespmem:v0+s2+$0x0], $0xffff;
	_ =	sdelay $0x3  }
0xcd: {  	s20 =	sadd.s32 $0x200, s20  }
0xce: {  	[tilespmem:s20+$0xFFFFFF00] =	vst v8  }
0xcf: {  	v8 =	vld.idx.msk [tilespmem:v1+s2+$0x0], $0xffff;
	_ =	sdelay $0x4  }
0xd0: {  	[tilespmem:s20+$0xFFFFFF10] =	vst v8  }
0xd1: {  	v8 =	vld.idx.msk [tilespmem:v2+s2+$0x0], $0xffff;
	_ =	sdelay $0x4  }
0xd2: {  	[tilespmem:s20+$0xFFFFFF20] =	vst v8  }
0xd3: {  	v8 =	vld.idx.msk [tilespmem:v3+s2+$0x0], $0xffff;
	_ =	sdelay $0x4  }
0xd4: {  	[tilespmem:s20+$0xFFFFFF30] =	vst v8  }
0xd5: {  	v8 =	vld.idx.msk [tilespmem:v4+s2+$0x0], $0xffff;
	_ =	sdelay $0x4  }
0xd6: {  	[tilespmem:s20+$0xFFFFFF40] =	vst v8  }
0xd7: {  	v8 =	vld.idx.msk [tilespmem:v5+s2+$0x0], $0xffff;
	_ =	sdelay $0x4  }
0xd8: {  	[tilespmem:s20+$0xFFFFFF50] =	vst v8  }
0xd9: {  	v8 =	vld.idx.msk [tilespmem:v6+s2+$0x0], $0xffff;
	_ =	sdelay $0x4  }
0xda: {  	[tilespmem:s20+$0xFFFFFF60] =	vst v8  }
0xdb: {  	v8 =	vld.idx.msk [tilespmem:v7+s2+$0x0], $0xffff;
	_ =	sdelay $0x4  }
0xdc: {  	[tilespmem:s20+$0xFFFFFF70] =	vst v8  }
0xdd: {  	v8 =	vld.idx.msk [tilespmem:v0+s11+$0x0], $0xffff;
	_ =	sdelay $0x4  }
0xde: {  	[tilespmem:s20+$0xFFFFFF80] =	vst v8  }
0xdf: {  	v8 =	vld.idx.msk [tilespmem:v1+s11+$0x0], $0xffff;
	_ =	sdelay $0x4  }
0xe0: {  	[tilespmem:s20+$0xFFFFFF90] =	vst v8  }
0xe1: {  	v8 =	vld.idx.msk [tilespmem:v2+s11+$0x0], $0xffff;
	_ =	sdelay $0x4  }
0xe2: {  	[tilespmem:s20+$0xFFFFFFA0] =	vst v8  }
0xe3: {  	v8 =	vld.idx.msk [tilespmem:v3+s11+$0x0], $0xffff;
	_ =	sdelay $0x4  }
0xe4: {  	[tilespmem:s20+$0xFFFFFFB0] =	vst v8  }
0xe5: {  	v8 =	vld.idx.msk [tilespmem:v4+s11+$0x0], $0xffff;
	_ =	sdelay $0x4  }
0xe6: {  	[tilespmem:s20+$0xFFFFFFC0] =	vst v8  }
0xe7: {  	v8 =	vld.idx.msk [tilespmem:v5+s11+$0x0], $0xffff;
	_ =	sdelay $0x4  }
0xe8: {  	[tilespmem:s20+$0xFFFFFFD0] =	vst v8  }
0xe9: {  	v8 =	vld.idx.msk [tilespmem:v6+s11+$0x0], $0xffff;
	_ =	sdelay $0x4  }
0xea: {  	[tilespmem:s20+$0xFFFFFFE0] =	vst v8  }
0xeb: {  	v8 =	vld.idx.msk [tilespmem:v7+s11+$0x0], $0xffff;
	_ =	sdelay $0x2  }
0xec: {  	p0 =	seq.s32 s21, $0x48000  }
0xed: {  	s21 =	sadd.s32 @!p0 s21, s8  }
0xee: {  	s22 =	simm.s32 @!p0 $0x400;
	s23 =	simm.s32 @!p0 $0x1000;
	s24 =	simm.s32 @!p0 $0x0;
	[tilespmem:s20+$0xFFFFFFF0] =	vst v8  }
0xef: {  	[tilespmem:s24], [sflag:$0x1] =	stream.strided.gather @!p0 [hbm4b:s21+s22], $0x4000, s23, s22, $0x38;
	[tilespmem:$0x11400] =	vst v63  }
0xf0: {  	s21 =	sadd.s32 @!p0 $0x2080, s21;
	s24 =	simm.s32 @!p0 $0x4000  }
0xf1: {  	[tilespmem:s24], [sflag:$0x1] =	stream.strided.gather @!p0 [hbm4b:s21+s22], $0x4000, s23, s22, $0x38;
	[tilespmem:$0x11400] =	vst v63  }
0xf2: {  	_ =	swait.ge [sflag:s15], $0x4000  }
0xf3: {  	[sflag:s15] =	ssyncset.done $0x0  }
0xf4: {  	[sflag:s15] =	ssyncadd.s32 $0xFFFFC000  }
0xf5: {  	_ =	swait.ge [sflag:s15], $0x4000  }
0xf6: {  	[sflag:s15] =	ssyncset.done $0x0  }
0xf7: {  	[sflag:s15] =	ssyncadd.s32 $0xFFFFC000  }
0xf8: {  	v8 =	vld.idx.msk [tilespmem:v0+s12+$0x0], $0xffff;
	_ =	sdelay $0x4  }
0xf9: {  	[tilespmem:s20+$0x0] =	vst v8  }
0xfa: {  	v8 =	vld.idx.msk [tilespmem:v1+s12+$0x0], $0xffff;
	_ =	sdelay $0x4  }
0xfb: {  	[tilespmem:s20+$0x10] =	vst v8  }
0xfc: {  	v8 =	vld.idx.msk [tilespmem:v2+s12+$0x0], $0xffff;
	_ =	sdelay $0x4  }
0xfd: {  	[tilespmem:s20+$0x20] =	vst v8  }
0xfe: {  	v8 =	vld.idx.msk [tilespmem:v3+s12+$0x0], $0xffff;
	_ =	sdelay $0x4  }
0xff: {  	[tilespmem:s20+$0x30] =	vst v8  }
0x100: {  	v8 =	vld.idx.msk [tilespmem:v4+s12+$0x0], $0xffff;
	_ =	sdelay $0x4  }
0x101: {  	[tilespmem:s20+$0x40] =	vst v8  }
0x102: {  	v8 =	vld.idx.msk [tilespmem:v5+s12+$0x0], $0xffff;
	_ =	sdelay $0x4  }
0x103: {  	[tilespmem:s20+$0x50] =	vst v8  }
0x104: {  	v8 =	vld.idx.msk [tilespmem:v6+s12+$0x0], $0xffff;
	_ =	sdelay $0x4  }
0x105: {  	[tilespmem:s20+$0x60] =	vst v8  }
0x106: {  	v8 =	vld.idx.msk [tilespmem:v7+s12+$0x0], $0xffff;
	_ =	sdelay $0x4  }
0x107: {  	[tilespmem:s20+$0x70] =	vst v8  }
0x108: {  	v8 =	vld.idx.msk [tilespmem:v0+s13+$0x0], $0xffff;
	_ =	sdelay $0x4  }
0x109: {  	[tilespmem:s20+$0x80] =	vst v8  }
0x10a: {  	v8 =	vld.idx.msk [tilespmem:v1+s13+$0x0], $0xffff;
	_ =	sdelay $0x4  }
0x10b: {  	[tilespmem:s20+$0x90] =	vst v8  }
0x10c: {  	v8 =	vld.idx.msk [tilespmem:v2+s13+$0x0], $0xffff;
	_ =	sdelay $0x4  }
0x10d: {  	[tilespmem:s20+$0xA0] =	vst v8  }
0x10e: {  	v8 =	vld.idx.msk [tilespmem:v3+s13+$0x0], $0xffff;
	_ =	sdelay $0x4  }
0x10f: {  	[tilespmem:s20+$0xB0] =	vst v8  }
0x110: {  	v8 =	vld.idx.msk [tilespmem:v4+s13+$0x0], $0xffff;
	_ =	sdelay $0x4  }
0x111: {  	[tilespmem:s20+$0xC0] =	vst v8  }
0x112: {  	v8 =	vld.idx.msk [tilespmem:v5+s13+$0x0], $0xffff;
	_ =	sdelay $0x4  }
0x113: {  	[tilespmem:s20+$0xD0] =	vst v8  }
0x114: {  	v8 =	vld.idx.msk [tilespmem:v6+s13+$0x0], $0xffff;
	_ =	sdelay $0x4  }
0x115: {  	[tilespmem:s20+$0xE0] =	vst v8  }
0x116: {  	v8 =	vld.idx.msk [tilespmem:v7+s13+$0x0], $0xffff;
	_ =	sdelay $0x2  }
0x117: {  	s19 =	sadd.s32 $0x1, s19  }
0x118: {  	p0 =	sne.s32 s19, s6  }
.Ltmp1:
0x119: {  	[tilespmem:s20+$0xF0] =	vst v8;
	(pc) =	sbr.rel @p0 .LBB2_1-.Ltmp1, $4  }
0x11a: {  	[hbm4b:s5+s16] =	stream.strided.scatter [tilespmem:s17], [sflag:$0x3], $0x1400, s9, s16, $0x38;
	[tilespmem:$0x11400] =	vst v63  }
0x11b: {  	_ =	swait.ge [sflag:s18], $0x1400  }
0x11c: {  	[sflag:s18] =	ssyncset.done $0x0  }
0x11d: {  	[sflag:s18] =	ssyncadd.s32 $0xFFFFEC00  }
0x11e: {  	_ =	sfence.sel $0x180000  }
0x11f: {  	[bflag:$0x0] =	sbarrier.arrive $0xFFFF  }
0x120: {  	p0 =	sne.s32 s0, $0x0;
	_ =	strace $0x90000047  }
0x121: {  	s0 =	sadd.s32 @!p0 $0x100000, s1;
	[bflag:$0x2] =	sbarrier.arrive $0xFFFF  }
0x122: {  	[sflag:s0] =	ssyncadd.tile.s32 @!p0 $0x1;
	_ =	shalt  }
.Lfunc_end2:
_tile_overlayer_lowered:
.L_overlay_start_2:
0x123: {  	(tag) =	ssettag $0x2  }
0x124: {  	s0 =	rddreg [dreg:$0x0];
	s2 =	stileid.u32  }
0x125: {  	s1 =	rddreg [dreg:$0x1];
	p0 =	sne.s32 s2, $0x0  }
0x126: {  	s3 =	rddreg [dreg:$0x2];
	[bflag:$0x3] =	sbarrier.arrive $0xFFFF;
	s2 =	simm.s32 @!p0 $0x1C03  }
0x127: {  	[timem:s3], [sflag:s2] =	dma.local @!p0 [hbm:s0], s1  }
0x128: {  	s0 =	simm.s32 @!p0 $0x3  }
0x129: {  	_ =	swait.ge @!p0 [sflag:s0], s1  }
0x12a: {  	s1 =	ssub.s32 @!p0 $0x0, s1;
	[sflag:s0] =	ssyncset.done @!p0 $0x0  }
0x12b: {  	[sflag:s0] =	ssyncadd.s32 @!p0 s1  }
0x12c: {  	[bflag:$0x3] =	sbarrier.arrive $0xFFFF  }
0x12d: {  	_ =	shalt  }

</sc_bundles>
